<compile_context>
chip_gen: v7x
topology: tpu7x:2x2x1
jax: 0.10.2.dev20260603
libtpu: 0.0.44.dev20260713+nightly
codegen_flags: <defaults>
</compile_context>

<pallas_src>
import functools

import jax
import jax.numpy as jnp
from jax import lax
from jax.experimental import pallas as pl
from jax.experimental.pallas import tpu as pltpu
from jax.experimental.pallas import tpu_sc as plsc

_CHUNK_ROWS = 16
_NBUF = 3


def kernel(x, emb_table):
    seq_len = x.shape[1]
    hidden = emb_table.shape[1]

    info = plsc.get_sparse_core_info()
    num_cores, num_subcores = info.num_cores, info.num_subcores
    num_workers = num_cores * num_subcores
    rows_per_w = seq_len // num_workers
    assert rows_per_w * num_workers == seq_len
    chunk = min(_CHUNK_ROWS, rows_per_w)
    if rows_per_w == 128 and chunk == 16:
        sizes = [8] + [16] * 7 + [8]
    else:
        sizes = [chunk] * (rows_per_w // chunk)
    assert sum(sizes) == rows_per_w
    offs = [0]
    for s in sizes:
        offs.append(offs[-1] + s)
    n_chunks = len(sizes)
    nbuf = min(_NBUF, n_chunks)

    mesh = plsc.VectorSubcoreMesh(core_axis_name="c", subcore_axis_name="s")

    @functools.partial(
        pl.kernel,
        mesh=mesh,
        out_type=jax.ShapeDtypeStruct((1, seq_len, hidden), jnp.float32),
        scratch_types=[
            pltpu.VMEM((nbuf, chunk, hidden), jnp.float32),
            pltpu.SemaphoreType.DMA((nbuf,)),
            pltpu.SemaphoreType.DMA((nbuf,)),
        ],
    )
    def copy_k(table_hbm, out_hbm, bufs, sr, sw):
        wid = lax.axis_index("s") * num_cores + lax.axis_index("c")
        base = wid * rows_per_w

        def start_read(i):
            return pltpu.async_copy(
                table_hbm.at[pl.ds(base + offs[i], sizes[i])],
                bufs.at[i % nbuf, pl.ds(0, sizes[i])],
                sr.at[i % nbuf],
            )

        def start_write(i):
            return pltpu.async_copy(
                bufs.at[i % nbuf, pl.ds(0, sizes[i])],
                out_hbm.at[0, pl.ds(base + offs[i], sizes[i])],
                sw.at[i % nbuf],
            )

        reads = [None] * nbuf
        writes = [None] * nbuf
        for i in range(min(nbuf - 1, n_chunks)):
            reads[i % nbuf] = start_read(i)
        for i in range(n_chunks):
            b = i % nbuf
            j = i + nbuf - 1
            if j < n_chunks:
                b2 = j % nbuf
                if writes[b2] is not None:
                    writes[b2].wait()
                reads[b2] = start_read(j)
            reads[b].wait()
            writes[b] = start_write(i)
        for b in range(nbuf):
            if writes[b] is not None:
                writes[b].wait()

    return copy_k(emb_table)

# --- scband reference (transcript-rebuilt; emitter-appended) ---
"""Pipeline reference for scband-positional-embedding-8392366096698 (READ-ONLY COPY).

The authoritative reference and input builder live on the scoring server;
editing this copy changes nothing except your own understanding.
"""

import jax, jax.numpy as jnp
import numpy as np

MAX_LEN = 8192
HIDDEN_DIM = 2048

def setup_inputs(seed: int = 0) -> dict:
    key = jax.random.key(seed)
    k1, k2 = jax.random.split(key)
    x = jax.random.normal(k1, (4, 4096, HIDDEN_DIM), dtype=jnp.float32)
    emb_table = jax.random.normal(k2, (MAX_LEN, HIDDEN_DIM), dtype=jnp.float32) * 0.02
    return {"x": x, "emb_table": emb_table}

def reference(x, emb_table):
    # pos_encoding=False path: learned embedding over all positions, then slice to x.size(1)
    pos = jnp.arange(MAX_LEN)
    emb = jnp.take(emb_table, pos, axis=0)  # [max_len, hidden_dim]
    emb = emb[None, :, :]                   # [1, max_len, hidden_dim]
    return emb[:, : x.shape[1], :]          # [1, seq_len, hidden_dim]

if __name__ == "__main__":
    import jax
    _d = setup_inputs()
    print(jax.jit(kernel)(*tuple(_d.values())))

</pallas_src>

<mosaic_0001>
#map = affine_map<(d0, d1) -> (0, 0)>
#map1 = affine_map<(d0, d1) -> (0, 0, 0)>
module attributes {stable_mosaic.version = 14 : i64} {
  func.func @copy_k(%arg0: i32, %arg1: i32, %arg2: memref<8192x2048xf32, #tpu.memory_space<hbm>>, %arg3: memref<1x4096x2048xf32, #tpu.memory_space<hbm>>, %arg4: memref<3x16x2048xf32, #tpu.memory_space<vmem>>, %arg5: memref<3x!tpu.dma_semaphore, #tpu.memory_space<semaphore_mem>>, %arg6: memref<3x!tpu.dma_semaphore, #tpu.memory_space<semaphore_mem>>) attributes {dimension_semantics = [#tpu.dimension_semantics<core_parallel>, #tpu.dimension_semantics<subcore_parallel>], iteration_bounds = array<i64: 2, 16>, scalar_prefetch = 0 : i64, scratch_operands = 3 : i64, tpu.core_type = #tpu.core_type<sc_vector_subcore>, window_params = [{transform_indices = #map}, {transform_indices = #map1}]} {
    %mul3A = arith.constant 2 : i32
    %mul3A_0 = arith.muli %arg1, %mul3A : i32
    %add3A = arith.addi %mul3A_0, %arg0 : i32
    %mul3A_1 = arith.constant 128 : i32
    %mul3A_2 = arith.muli %add3A, %mul3A_1 : i32
    %add3A_3 = arith.constant 0 : i32
    %add3A_4 = arith.addi %mul3A_2, %add3A_3 : i32
    %dma_start3A = arith.constant 0 : i32
    %dma_start3A_5 = arith.constant 0 : i32
    %dma_start3A_6 = arith.constant 0 : i32
    %dma_start3A_7 = arith.constant 0 : i32
    %dma_start3A_8 = tpu.memref_slice %arg4[%dma_start3A, %dma_start3A_6, %dma_start3A_7] : memref<3x16x2048xf32, #tpu.memory_space<vmem>> -> memref<1x8x2048xf32, #tpu.memory_space<vmem>>
    %dma_start3A_9 = tpu.memref_squeeze %dma_start3A_8 : memref<1x8x2048xf32, #tpu.memory_space<vmem>> -> memref<8x2048xf32, #tpu.memory_space<vmem>>
    %dma_start3A_10 = arith.constant 0 : i32
    %dma_start3A_11 = tpu.memref_slice %arg2[%add3A_4, %dma_start3A_10] : memref<8192x2048xf32, #tpu.memory_space<hbm>> -> memref<8x2048xf32, #tpu.memory_space<hbm>>
    %dma_start3A_12 = tpu.memref_slice %arg5[%dma_start3A_5] : memref<3x!tpu.dma_semaphore, #tpu.memory_space<semaphore_mem>> -> memref<1x!tpu.dma_semaphore, #tpu.memory_space<semaphore_mem>>
    %dma_start3A_13 = tpu.memref_squeeze %dma_start3A_12 : memref<1x!tpu.dma_semaphore, #tpu.memory_space<semaphore_mem>> -> memref<!tpu.dma_semaphore, #tpu.memory_space<semaphore_mem>>
    %dma_start3A_14 = arith.constant 0 : i32
    %dma_start3A_15 = arith.constant 0 : i32
    %dma_start3A_16 = tpu.memref_slice %arg4[%dma_start3A, %dma_start3A_14, %dma_start3A_15] : memref<3x16x2048xf32, #tpu.memory_space<vmem>> -> memref<1x8x2048xf32, #tpu.memory_space<vmem>>
    %dma_start3A_17 = tpu.memref_squeeze %dma_start3A_16 : memref<1x8x2048xf32, #tpu.memory_space<vmem>> -> memref<8x2048xf32, #tpu.memory_space<vmem>>
    %dma_start3A_18 = arith.constant 0 : i32
    %dma_start3A_19 = tpu.memref_slice %arg2[%add3A_4, %dma_start3A_18] : memref<8192x2048xf32, #tpu.memory_space<hbm>> -> memref<8x2048xf32, #tpu.memory_space<hbm>>
    tpu.enqueue_dma source(%dma_start3A_19 : memref<8x2048xf32, #tpu.memory_space<hbm>>) target(%dma_start3A_17 : memref<8x2048xf32, #tpu.memory_space<vmem>>) target_semaphore(%dma_start3A_13 : memref<!tpu.dma_semaphore, #tpu.memory_space<semaphore_mem>>)
    %add3A_20 = arith.constant 8 : i32
    %add3A_21 = arith.addi %mul3A_2, %add3A_20 : i32
    %dma_start3A_22 = arith.constant 1 : i32
    %dma_start3A_23 = arith.constant 1 : i32
    %dma_start3A_24 = arith.constant 0 : i32
    %dma_start3A_25 = arith.constant 0 : i32
    %dma_start3A_26 = tpu.memref_slice %arg4[%dma_start3A_22, %dma_start3A_24, %dma_start3A_25] : memref<3x16x2048xf32, #tpu.memory_space<vmem>> -> memref<1x16x2048xf32, #tpu.memory_space<vmem>>
    %dma_start3A_27 = tpu.memref_squeeze %dma_start3A_26 : memref<1x16x2048xf32, #tpu.memory_space<vmem>> -> memref<16x2048xf32, #tpu.memory_space<vmem>>
    %dma_start3A_28 = arith.constant 0 : i32
    %dma_start3A_29 = tpu.memref_slice %arg2[%add3A_21, %dma_start3A_28] : memref<8192x2048xf32, #tpu.memory_space<hbm>> -> memref<16x2048xf32, #tpu.memory_space<hbm>>
    %dma_start3A_30 = tpu.memref_slice %arg5[%dma_start3A_23] : memref<3x!tpu.dma_semaphore, #tpu.memory_space<semaphore_mem>> -> memref<1x!tpu.dma_semaphore, #tpu.memory_space<semaphore_mem>>
    %dma_start3A_31 = tpu.memref_squeeze %dma_start3A_30 : memref<1x!tpu.dma_semaphore, #tpu.memory_space<semaphore_mem>> -> memref<!tpu.dma_semaphore, #tpu.memory_space<semaphore_mem>>
    %dma_start3A_32 = arith.constant 0 : i32
    %dma_start3A_33 = arith.constant 0 : i32
    %dma_start3A_34 = tpu.memref_slice %arg4[%dma_start3A_22, %dma_start3A_32, %dma_start3A_33] : memref<3x16x2048xf32, #tpu.memory_space<vmem>> -> memref<1x16x2048xf32, #tpu.memory_space<vmem>>
    %dma_start3A_35 = tpu.memref_squeeze %dma_start3A_34 : memref<1x16x2048xf32, #tpu.memory_space<vmem>> -> memref<16x2048xf32, #tpu.memory_space<vmem>>
    %dma_start3A_36 = arith.constant 0 : i32
    %dma_start3A_37 = tpu.memref_slice %arg2[%add3A_21, %dma_start3A_36] : memref<8192x2048xf32, #tpu.memory_space<hbm>> -> memref<16x2048xf32, #tpu.memory_space<hbm>>
    tpu.enqueue_dma source(%dma_start3A_37 : memref<16x2048xf32, #tpu.memory_space<hbm>>) target(%dma_start3A_35 : memref<16x2048xf32, #tpu.memory_space<vmem>>) target_semaphore(%dma_start3A_31 : memref<!tpu.dma_semaphore, #tpu.memory_space<semaphore_mem>>)
    %add3A_38 = arith.constant 24 : i32
    %add3A_39 = arith.addi %mul3A_2, %add3A_38 : i32
    %dma_start3A_40 = arith.constant 2 : i32
    %dma_start3A_41 = arith.constant 2 : i32
    %dma_start3A_42 = arith.constant 0 : i32
    %dma_start3A_43 = arith.constant 0 : i32
    %dma_start3A_44 = tpu.memref_slice %arg4[%dma_start3A_40, %dma_start3A_42, %dma_start3A_43] : memref<3x16x2048xf32, #tpu.memory_space<vmem>> -> memref<1x16x2048xf32, #tpu.memory_space<vmem>>
    %dma_start3A_45 = tpu.memref_squeeze %dma_start3A_44 : memref<1x16x2048xf32, #tpu.memory_space<vmem>> -> memref<16x2048xf32, #tpu.memory_space<vmem>>
    %dma_start3A_46 = arith.constant 0 : i32
    %dma_start3A_47 = tpu.memref_slice %arg2[%add3A_39, %dma_start3A_46] : memref<8192x2048xf32, #tpu.memory_space<hbm>> -> memref<16x2048xf32, #tpu.memory_space<hbm>>
    %dma_start3A_48 = tpu.memref_slice %arg5[%dma_start3A_41] : memref<3x!tpu.dma_semaphore, #tpu.memory_space<semaphore_mem>> -> memref<1x!tpu.dma_semaphore, #tpu.memory_space<semaphore_mem>>
    %dma_start3A_49 = tpu.memref_squeeze %dma_start3A_48 : memref<1x!tpu.dma_semaphore, #tpu.memory_space<semaphore_mem>> -> memref<!tpu.dma_semaphore, #tpu.memory_space<semaphore_mem>>
    %dma_start3A_50 = arith.constant 0 : i32
    %dma_start3A_51 = arith.constant 0 : i32
    %dma_start3A_52 = tpu.memref_slice %arg4[%dma_start3A_40, %dma_start3A_50, %dma_start3A_51] : memref<3x16x2048xf32, #tpu.memory_space<vmem>> -> memref<1x16x2048xf32, #tpu.memory_space<vmem>>
    %dma_start3A_53 = tpu.memref_squeeze %dma_start3A_52 : memref<1x16x2048xf32, #tpu.memory_space<vmem>> -> memref<16x2048xf32, #tpu.memory_space<vmem>>
    %dma_start3A_54 = arith.constant 0 : i32
    %dma_start3A_55 = tpu.memref_slice %arg2[%add3A_39, %dma_start3A_54] : memref<8192x2048xf32, #tpu.memory_space<hbm>> -> memref<16x2048xf32, #tpu.memory_space<hbm>>
    tpu.enqueue_dma source(%dma_start3A_55 : memref<16x2048xf32, #tpu.memory_space<hbm>>) target(%dma_start3A_53 : memref<16x2048xf32, #tpu.memory_space<vmem>>) target_semaphore(%dma_start3A_49 : memref<!tpu.dma_semaphore, #tpu.memory_space<semaphore_mem>>)
    %dma_wait3A = arith.constant 0 : i32
    %dma_wait3A_56 = arith.constant 0 : i32
    %dma_wait3A_57 = arith.constant 0 : i32
    %dma_wait3A_58 = arith.constant 0 : i32
    %dma_wait3A_59 = tpu.memref_slice %arg4[%dma_wait3A, %dma_wait3A_57, %dma_wait3A_58] : memref<3x16x2048xf32, #tpu.memory_space<vmem>> -> memref<1x8x2048xf32, #tpu.memory_space<vmem>>
    %dma_wait3A_60 = tpu.memref_squeeze %dma_wait3A_59 : memref<1x8x2048xf32, #tpu.memory_space<vmem>> -> memref<8x2048xf32, #tpu.memory_space<vmem>>
    %dma_wait3A_61 = arith.constant 0 : i32
    %dma_wait3A_62 = tpu.memref_slice %arg2[%add3A_4, %dma_wait3A_61] : memref<8192x2048xf32, #tpu.memory_space<hbm>> -> memref<8x2048xf32, #tpu.memory_space<hbm>>
    %dma_wait3A_63 = tpu.memref_slice %arg5[%dma_wait3A_56] : memref<3x!tpu.dma_semaphore, #tpu.memory_space<semaphore_mem>> -> memref<1x!tpu.dma_semaphore, #tpu.memory_space<semaphore_mem>>
    %dma_wait3A_64 = tpu.memref_squeeze %dma_wait3A_63 : memref<1x!tpu.dma_semaphore, #tpu.memory_space<semaphore_mem>> -> memref<!tpu.dma_semaphore, #tpu.memory_space<semaphore_mem>>
    %dma_wait3A_65 = arith.constant 0 : i32
    %dma_wait3A_66 = arith.constant 0 : i32
    %dma_wait3A_67 = tpu.memref_slice %arg4[%dma_wait3A, %dma_wait3A_65, %dma_wait3A_66] : memref<3x16x2048xf32, #tpu.memory_space<vmem>> -> memref<1x8x2048xf32, #tpu.memory_space<vmem>>
    %dma_wait3A_68 = tpu.memref_squeeze %dma_wait3A_67 : memref<1x8x2048xf32, #tpu.memory_space<vmem>> -> memref<8x2048xf32, #tpu.memory_space<vmem>>
    %dma_wait3A_69 = arith.constant 0 : i32
    %dma_wait3A_70 = tpu.memref_slice %arg2[%add3A_4, %dma_wait3A_69] : memref<8192x2048xf32, #tpu.memory_space<hbm>> -> memref<8x2048xf32, #tpu.memory_space<hbm>>
    tpu.wait_dma2 semaphore(%dma_wait3A_64 : memref<!tpu.dma_semaphore, #tpu.memory_space<semaphore_mem>>) src(%dma_wait3A_70 : memref<8x2048xf32, #tpu.memory_space<hbm>>) dst(%dma_wait3A_68 : memref<8x2048xf32, #tpu.memory_space<vmem>>)
    %add3A_71 = arith.constant 0 : i32
    %add3A_72 = arith.addi %mul3A_2, %add3A_71 : i32
    %dma_start3A_73 = arith.constant 0 : i32
    %dma_start3A_74 = arith.constant 0 : i32
    %dma_start3A_75 = arith.constant 0 : i32
    %dma_start3A_76 = arith.constant 0 : i32
    %dma_start3A_77 = arith.constant 0 : i32
    %dma_start3A_78 = tpu.memref_slice %arg4[%dma_start3A_73, %dma_start3A_76, %dma_start3A_77] : memref<3x16x2048xf32, #tpu.memory_space<vmem>> -> memref<1x8x2048xf32, #tpu.memory_space<vmem>>
    %dma_start3A_79 = tpu.memref_squeeze %dma_start3A_78 : memref<1x8x2048xf32, #tpu.memory_space<vmem>> -> memref<8x2048xf32, #tpu.memory_space<vmem>>
    %dma_start3A_80 = arith.constant 0 : i32
    %dma_start3A_81 = tpu.memref_slice %arg3[%dma_start3A_74, %add3A_72, %dma_start3A_80] : memref<1x4096x2048xf32, #tpu.memory_space<hbm>> -> memref<1x8x2048xf32, #tpu.memory_space<hbm>>
    %dma_start3A_82 = tpu.memref_squeeze %dma_start3A_81 : memref<1x8x2048xf32, #tpu.memory_space<hbm>> -> memref<8x2048xf32, #tpu.memory_space<hbm>>
    %dma_start3A_83 = tpu.memref_slice %arg6[%dma_start3A_75] : memref<3x!tpu.dma_semaphore, #tpu.memory_space<semaphore_mem>> -> memref<1x!tpu.dma_semaphore, #tpu.memory_space<semaphore_mem>>
    %dma_start3A_84 = tpu.memref_squeeze %dma_start3A_83 : memref<1x!tpu.dma_semaphore, #tpu.memory_space<semaphore_mem>> -> memref<!tpu.dma_semaphore, #tpu.memory_space<semaphore_mem>>
    %dma_start3A_85 = arith.constant 0 : i32
    %dma_start3A_86 = tpu.memref_slice %arg3[%dma_start3A_74, %add3A_72, %dma_start3A_85] : memref<1x4096x2048xf32, #tpu.memory_space<hbm>> -> memref<1x8x2048xf32, #tpu.memory_space<hbm>>
    %dma_start3A_87 = tpu.memref_squeeze %dma_start3A_86 : memref<1x8x2048xf32, #tpu.memory_space<hbm>> -> memref<8x2048xf32, #tpu.memory_space<hbm>>
    %dma_start3A_88 = arith.constant 0 : i32
    %dma_start3A_89 = arith.constant 0 : i32
    %dma_start3A_90 = tpu.memref_slice %arg4[%dma_start3A_73, %dma_start3A_88, %dma_start3A_89] : memref<3x16x2048xf32, #tpu.memory_space<vmem>> -> memref<1x8x2048xf32, #tpu.memory_space<vmem>>
    %dma_start3A_91 = tpu.memref_squeeze %dma_start3A_90 : memref<1x8x2048xf32, #tpu.memory_space<vmem>> -> memref<8x2048xf32, #tpu.memory_space<vmem>>
    tpu.enqueue_dma source(%dma_start3A_91 : memref<8x2048xf32, #tpu.memory_space<vmem>>) target(%dma_start3A_87 : memref<8x2048xf32, #tpu.memory_space<hbm>>) target_semaphore(%dma_start3A_84 : memref<!tpu.dma_semaphore, #tpu.memory_space<semaphore_mem>>)
    %dma_wait3A_92 = arith.constant 0 : i32
    %dma_wait3A_93 = arith.constant 0 : i32
    %dma_wait3A_94 = arith.constant 0 : i32
    %dma_wait3A_95 = arith.constant 0 : i32
    %dma_wait3A_96 = arith.constant 0 : i32
    %dma_wait3A_97 = tpu.memref_slice %arg4[%dma_wait3A_92, %dma_wait3A_95, %dma_wait3A_96] : memref<3x16x2048xf32, #tpu.memory_space<vmem>> -> memref<1x8x2048xf32, #tpu.memory_space<vmem>>
    %dma_wait3A_98 = tpu.memref_squeeze %dma_wait3A_97 : memref<1x8x2048xf32, #tpu.memory_space<vmem>> -> memref<8x2048xf32, #tpu.memory_space<vmem>>
    %dma_wait3A_99 = arith.constant 0 : i32
    %dma_wait3A_100 = tpu.memref_slice %arg3[%dma_wait3A_93, %add3A_72, %dma_wait3A_99] : memref<1x4096x2048xf32, #tpu.memory_space<hbm>> -> memref<1x8x2048xf32, #tpu.memory_space<hbm>>
    %dma_wait3A_101 = tpu.memref_squeeze %dma_wait3A_100 : memref<1x8x2048xf32, #tpu.memory_space<hbm>> -> memref<8x2048xf32, #tpu.memory_space<hbm>>
    %dma_wait3A_102 = tpu.memref_slice %arg6[%dma_wait3A_94] : memref<3x!tpu.dma_semaphore, #tpu.memory_space<semaphore_mem>> -> memref<1x!tpu.dma_semaphore, #tpu.memory_space<semaphore_mem>>
    %dma_wait3A_103 = tpu.memref_squeeze %dma_wait3A_102 : memref<1x!tpu.dma_semaphore, #tpu.memory_space<semaphore_mem>> -> memref<!tpu.dma_semaphore, #tpu.memory_space<semaphore_mem>>
    %dma_wait3A_104 = arith.constant 0 : i32
    %dma_wait3A_105 = tpu.memref_slice %arg3[%dma_wait3A_93, %add3A_72, %dma_wait3A_104] : memref<1x4096x2048xf32, #tpu.memory_space<hbm>> -> memref<1x8x2048xf32, #tpu.memory_space<hbm>>
    %dma_wait3A_106 = tpu.memref_squeeze %dma_wait3A_105 : memref<1x8x2048xf32, #tpu.memory_space<hbm>> -> memref<8x2048xf32, #tpu.memory_space<hbm>>
    %dma_wait3A_107 = arith.constant 0 : i32
    %dma_wait3A_108 = arith.constant 0 : i32
    %dma_wait3A_109 = tpu.memref_slice %arg4[%dma_wait3A_92, %dma_wait3A_107, %dma_wait3A_108] : memref<3x16x2048xf32, #tpu.memory_space<vmem>> -> memref<1x8x2048xf32, #tpu.memory_space<vmem>>
    %dma_wait3A_110 = tpu.memref_squeeze %dma_wait3A_109 : memref<1x8x2048xf32, #tpu.memory_space<vmem>> -> memref<8x2048xf32, #tpu.memory_space<vmem>>
    tpu.wait_dma2 semaphore(%dma_wait3A_103 : memref<!tpu.dma_semaphore, #tpu.memory_space<semaphore_mem>>) src(%dma_wait3A_110 : memref<8x2048xf32, #tpu.memory_space<vmem>>) dst(%dma_wait3A_106 : memref<8x2048xf32, #tpu.memory_space<hbm>>)
    %add3A_111 = arith.constant 40 : i32
    %add3A_112 = arith.addi %mul3A_2, %add3A_111 : i32
    %dma_start3A_113 = arith.constant 0 : i32
    %dma_start3A_114 = arith.constant 0 : i32
    %dma_start3A_115 = arith.constant 0 : i32
    %dma_start3A_116 = arith.constant 0 : i32
    %dma_start3A_117 = tpu.memref_slice %arg4[%dma_start3A_113, %dma_start3A_115, %dma_start3A_116] : memref<3x16x2048xf32, #tpu.memory_space<vmem>> -> memref<1x16x2048xf32, #tpu.memory_space<vmem>>
    %dma_start3A_118 = tpu.memref_squeeze %dma_start3A_117 : memref<1x16x2048xf32, #tpu.memory_space<vmem>> -> memref<16x2048xf32, #tpu.memory_space<vmem>>
    %dma_start3A_119 = arith.constant 0 : i32
    %dma_start3A_120 = tpu.memref_slice %arg2[%add3A_112, %dma_start3A_119] : memref<8192x2048xf32, #tpu.memory_space<hbm>> -> memref<16x2048xf32, #tpu.memory_space<hbm>>
    %dma_start3A_121 = tpu.memref_slice %arg5[%dma_start3A_114] : memref<3x!tpu.dma_semaphore, #tpu.memory_space<semaphore_mem>> -> memref<1x!tpu.dma_semaphore, #tpu.memory_space<semaphore_mem>>
    %dma_start3A_122 = tpu.memref_squeeze %dma_start3A_121 : memref<1x!tpu.dma_semaphore, #tpu.memory_space<semaphore_mem>> -> memref<!tpu.dma_semaphore, #tpu.memory_space<semaphore_mem>>
    %dma_start3A_123 = arith.constant 0 : i32
    %dma_start3A_124 = arith.constant 0 : i32
    %dma_start3A_125 = tpu.memref_slice %arg4[%dma_start3A_113, %dma_start3A_123, %dma_start3A_124] : memref<3x16x2048xf32, #tpu.memory_space<vmem>> -> memref<1x16x2048xf32, #tpu.memory_space<vmem>>
    %dma_start3A_126 = tpu.memref_squeeze %dma_start3A_125 : memref<1x16x2048xf32, #tpu.memory_space<vmem>> -> memref<16x2048xf32, #tpu.memory_space<vmem>>
    %dma_start3A_127 = arith.constant 0 : i32
    %dma_start3A_128 = tpu.memref_slice %arg2[%add3A_112, %dma_start3A_127] : memref<8192x2048xf32, #tpu.memory_space<hbm>> -> memref<16x2048xf32, #tpu.memory_space<hbm>>
    tpu.enqueue_dma source(%dma_start3A_128 : memref<16x2048xf32, #tpu.memory_space<hbm>>) target(%dma_start3A_126 : memref<16x2048xf32, #tpu.memory_space<vmem>>) target_semaphore(%dma_start3A_122 : memref<!tpu.dma_semaphore, #tpu.memory_space<semaphore_mem>>)
    %dma_wait3A_129 = arith.constant 1 : i32
    %dma_wait3A_130 = arith.constant 1 : i32
    %dma_wait3A_131 = arith.constant 0 : i32
    %dma_wait3A_132 = arith.constant 0 : i32
    %dma_wait3A_133 = tpu.memref_slice %arg4[%dma_wait3A_129, %dma_wait3A_131, %dma_wait3A_132] : memref<3x16x2048xf32, #tpu.memory_space<vmem>> -> memref<1x16x2048xf32, #tpu.memory_space<vmem>>
    %dma_wait3A_134 = tpu.memref_squeeze %dma_wait3A_133 : memref<1x16x2048xf32, #tpu.memory_space<vmem>> -> memref<16x2048xf32, #tpu.memory_space<vmem>>
    %dma_wait3A_135 = arith.constant 0 : i32
    %dma_wait3A_136 = tpu.memref_slice %arg2[%add3A_21, %dma_wait3A_135] : memref<8192x2048xf32, #tpu.memory_space<hbm>> -> memref<16x2048xf32, #tpu.memory_space<hbm>>
    %dma_wait3A_137 = tpu.memref_slice %arg5[%dma_wait3A_130] : memref<3x!tpu.dma_semaphore, #tpu.memory_space<semaphore_mem>> -> memref<1x!tpu.dma_semaphore, #tpu.memory_space<semaphore_mem>>
    %dma_wait3A_138 = tpu.memref_squeeze %dma_wait3A_137 : memref<1x!tpu.dma_semaphore, #tpu.memory_space<semaphore_mem>> -> memref<!tpu.dma_semaphore, #tpu.memory_space<semaphore_mem>>
    %dma_wait3A_139 = arith.constant 0 : i32
    %dma_wait3A_140 = arith.constant 0 : i32
    %dma_wait3A_141 = tpu.memref_slice %arg4[%dma_wait3A_129, %dma_wait3A_139, %dma_wait3A_140] : memref<3x16x2048xf32, #tpu.memory_space<vmem>> -> memref<1x16x2048xf32, #tpu.memory_space<vmem>>
    %dma_wait3A_142 = tpu.memref_squeeze %dma_wait3A_141 : memref<1x16x2048xf32, #tpu.memory_space<vmem>> -> memref<16x2048xf32, #tpu.memory_space<vmem>>
    %dma_wait3A_143 = arith.constant 0 : i32
    %dma_wait3A_144 = tpu.memref_slice %arg2[%add3A_21, %dma_wait3A_143] : memref<8192x2048xf32, #tpu.memory_space<hbm>> -> memref<16x2048xf32, #tpu.memory_space<hbm>>
    tpu.wait_dma2 semaphore(%dma_wait3A_138 : memref<!tpu.dma_semaphore, #tpu.memory_space<semaphore_mem>>) src(%dma_wait3A_144 : memref<16x2048xf32, #tpu.memory_space<hbm>>) dst(%dma_wait3A_142 : memref<16x2048xf32, #tpu.memory_space<vmem>>)
    %add3A_145 = arith.constant 8 : i32
    %add3A_146 = arith.addi %mul3A_2, %add3A_145 : i32
    %dma_start3A_147 = arith.constant 1 : i32
    %dma_start3A_148 = arith.constant 0 : i32
    %dma_start3A_149 = arith.constant 1 : i32
    %dma_start3A_150 = arith.constant 0 : i32
    %dma_start3A_151 = arith.constant 0 : i32
    %dma_start3A_152 = tpu.memref_slice %arg4[%dma_start3A_147, %dma_start3A_150, %dma_start3A_151] : memref<3x16x2048xf32, #tpu.memory_space<vmem>> -> memref<1x16x2048xf32, #tpu.memory_space<vmem>>
    %dma_start3A_153 = tpu.memref_squeeze %dma_start3A_152 : memref<1x16x2048xf32, #tpu.memory_space<vmem>> -> memref<16x2048xf32, #tpu.memory_space<vmem>>
    %dma_start3A_154 = arith.constant 0 : i32
    %dma_start3A_155 = tpu.memref_slice %arg3[%dma_start3A_148, %add3A_146, %dma_start3A_154] : memref<1x4096x2048xf32, #tpu.memory_space<hbm>> -> memref<1x16x2048xf32, #tpu.memory_space<hbm>>
    %dma_start3A_156 = tpu.memref_squeeze %dma_start3A_155 : memref<1x16x2048xf32, #tpu.memory_space<hbm>> -> memref<16x2048xf32, #tpu.memory_space<hbm>>
    %dma_start3A_157 = tpu.memref_slice %arg6[%dma_start3A_149] : memref<3x!tpu.dma_semaphore, #tpu.memory_space<semaphore_mem>> -> memref<1x!tpu.dma_semaphore, #tpu.memory_space<semaphore_mem>>
    %dma_start3A_158 = tpu.memref_squeeze %dma_start3A_157 : memref<1x!tpu.dma_semaphore, #tpu.memory_space<semaphore_mem>> -> memref<!tpu.dma_semaphore, #tpu.memory_space<semaphore_mem>>
    %dma_start3A_159 = arith.constant 0 : i32
    %dma_start3A_160 = tpu.memref_slice %arg3[%dma_start3A_148, %add3A_146, %dma_start3A_159] : memref<1x4096x2048xf32, #tpu.memory_space<hbm>> -> memref<1x16x2048xf32, #tpu.memory_space<hbm>>
    %dma_start3A_161 = tpu.memref_squeeze %dma_start3A_160 : memref<1x16x2048xf32, #tpu.memory_space<hbm>> -> memref<16x2048xf32, #tpu.memory_space<hbm>>
    %dma_start3A_162 = arith.constant 0 : i32
    %dma_start3A_163 = arith.constant 0 : i32
    %dma_start3A_164 = tpu.memref_slice %arg4[%dma_start3A_147, %dma_start3A_162, %dma_start3A_163] : memref<3x16x2048xf32, #tpu.memory_space<vmem>> -> memref<1x16x2048xf32, #tpu.memory_space<vmem>>
    %dma_start3A_165 = tpu.memref_squeeze %dma_start3A_164 : memref<1x16x2048xf32, #tpu.memory_space<vmem>> -> memref<16x2048xf32, #tpu.memory_space<vmem>>
    tpu.enqueue_dma source(%dma_start3A_165 : memref<16x2048xf32, #tpu.memory_space<vmem>>) target(%dma_start3A_161 : memref<16x2048xf32, #tpu.memory_space<hbm>>) target_semaphore(%dma_start3A_158 : memref<!tpu.dma_semaphore, #tpu.memory_space<semaphore_mem>>)
    %dma_wait3A_166 = arith.constant 1 : i32
    %dma_wait3A_167 = arith.constant 0 : i32
    %dma_wait3A_168 = arith.constant 1 : i32
    %dma_wait3A_169 = arith.constant 0 : i32
    %dma_wait3A_170 = arith.constant 0 : i32
    %dma_wait3A_171 = tpu.memref_slice %arg4[%dma_wait3A_166, %dma_wait3A_169, %dma_wait3A_170] : memref<3x16x2048xf32, #tpu.memory_space<vmem>> -> memref<1x16x2048xf32, #tpu.memory_space<vmem>>
    %dma_wait3A_172 = tpu.memref_squeeze %dma_wait3A_171 : memref<1x16x2048xf32, #tpu.memory_space<vmem>> -> memref<16x2048xf32, #tpu.memory_space<vmem>>
    %dma_wait3A_173 = arith.constant 0 : i32
    %dma_wait3A_174 = tpu.memref_slice %arg3[%dma_wait3A_167, %add3A_146, %dma_wait3A_173] : memref<1x4096x2048xf32, #tpu.memory_space<hbm>> -> memref<1x16x2048xf32, #tpu.memory_space<hbm>>
    %dma_wait3A_175 = tpu.memref_squeeze %dma_wait3A_174 : memref<1x16x2048xf32, #tpu.memory_space<hbm>> -> memref<16x2048xf32, #tpu.memory_space<hbm>>
    %dma_wait3A_176 = tpu.memref_slice %arg6[%dma_wait3A_168] : memref<3x!tpu.dma_semaphore, #tpu.memory_space<semaphore_mem>> -> memref<1x!tpu.dma_semaphore, #tpu.memory_space<semaphore_mem>>
    %dma_wait3A_177 = tpu.memref_squeeze %dma_wait3A_176 : memref<1x!tpu.dma_semaphore, #tpu.memory_space<semaphore_mem>> -> memref<!tpu.dma_semaphore, #tpu.memory_space<semaphore_mem>>
    %dma_wait3A_178 = arith.constant 0 : i32
    %dma_wait3A_179 = tpu.memref_slice %arg3[%dma_wait3A_167, %add3A_146, %dma_wait3A_178] : memref<1x4096x2048xf32, #tpu.memory_space<hbm>> -> memref<1x16x2048xf32, #tpu.memory_space<hbm>>
    %dma_wait3A_180 = tpu.memref_squeeze %dma_wait3A_179 : memref<1x16x2048xf32, #tpu.memory_space<hbm>> -> memref<16x2048xf32, #tpu.memory_space<hbm>>
    %dma_wait3A_181 = arith.constant 0 : i32
    %dma_wait3A_182 = arith.constant 0 : i32
    %dma_wait3A_183 = tpu.memref_slice %arg4[%dma_wait3A_166, %dma_wait3A_181, %dma_wait3A_182] : memref<3x16x2048xf32, #tpu.memory_space<vmem>> -> memref<1x16x2048xf32, #tpu.memory_space<vmem>>
    %dma_wait3A_184 = tpu.memref_squeeze %dma_wait3A_183 : memref<1x16x2048xf32, #tpu.memory_space<vmem>> -> memref<16x2048xf32, #tpu.memory_space<vmem>>
    tpu.wait_dma2 semaphore(%dma_wait3A_177 : memref<!tpu.dma_semaphore, #tpu.memory_space<semaphore_mem>>) src(%dma_wait3A_184 : memref<16x2048xf32, #tpu.memory_space<vmem>>) dst(%dma_wait3A_180 : memref<16x2048xf32, #tpu.memory_space<hbm>>)
    %add3A_185 = arith.constant 56 : i32
    %add3A_186 = arith.addi %mul3A_2, %add3A_185 : i32
    %dma_start3A_187 = arith.constant 1 : i32
    %dma_start3A_188 = arith.constant 1 : i32
    %dma_start3A_189 = arith.constant 0 : i32
    %dma_start3A_190 = arith.constant 0 : i32
    %dma_start3A_191 = tpu.memref_slice %arg4[%dma_start3A_187, %dma_start3A_189, %dma_start3A_190] : memref<3x16x2048xf32, #tpu.memory_space<vmem>> -> memref<1x16x2048xf32, #tpu.memory_space<vmem>>
    %dma_start3A_192 = tpu.memref_squeeze %dma_start3A_191 : memref<1x16x2048xf32, #tpu.memory_space<vmem>> -> memref<16x2048xf32, #tpu.memory_space<vmem>>
    %dma_start3A_193 = arith.constant 0 : i32
    %dma_start3A_194 = tpu.memref_slice %arg2[%add3A_186, %dma_start3A_193] : memref<8192x2048xf32, #tpu.memory_space<hbm>> -> memref<16x2048xf32, #tpu.memory_space<hbm>>
    %dma_start3A_195 = tpu.memref_slice %arg5[%dma_start3A_188] : memref<3x!tpu.dma_semaphore, #tpu.memory_space<semaphore_mem>> -> memref<1x!tpu.dma_semaphore, #tpu.memory_space<semaphore_mem>>
    %dma_start3A_196 = tpu.memref_squeeze %dma_start3A_195 : memref<1x!tpu.dma_semaphore, #tpu.memory_space<semaphore_mem>> -> memref<!tpu.dma_semaphore, #tpu.memory_space<semaphore_mem>>
    %dma_start3A_197 = arith.constant 0 : i32
    %dma_start3A_198 = arith.constant 0 : i32
    %dma_start3A_199 = tpu.memref_slice %arg4[%dma_start3A_187, %dma_start3A_197, %dma_start3A_198] : memref<3x16x2048xf32, #tpu.memory_space<vmem>> -> memref<1x16x2048xf32, #tpu.memory_space<vmem>>
    %dma_start3A_200 = tpu.memref_squeeze %dma_start3A_199 : memref<1x16x2048xf32, #tpu.memory_space<vmem>> -> memref<16x2048xf32, #tpu.memory_space<vmem>>
    %dma_start3A_201 = arith.constant 0 : i32
    %dma_start3A_202 = tpu.memref_slice %arg2[%add3A_186, %dma_start3A_201] : memref<8192x2048xf32, #tpu.memory_space<hbm>> -> memref<16x2048xf32, #tpu.memory_space<hbm>>
    tpu.enqueue_dma source(%dma_start3A_202 : memref<16x2048xf32, #tpu.memory_space<hbm>>) target(%dma_start3A_200 : memref<16x2048xf32, #tpu.memory_space<vmem>>) target_semaphore(%dma_start3A_196 : memref<!tpu.dma_semaphore, #tpu.memory_space<semaphore_mem>>)
    %dma_wait3A_203 = arith.constant 2 : i32
    %dma_wait3A_204 = arith.constant 2 : i32
    %dma_wait3A_205 = arith.constant 0 : i32
    %dma_wait3A_206 = arith.constant 0 : i32
    %dma_wait3A_207 = tpu.memref_slice %arg4[%dma_wait3A_203, %dma_wait3A_205, %dma_wait3A_206] : memref<3x16x2048xf32, #tpu.memory_space<vmem>> -> memref<1x16x2048xf32, #tpu.memory_space<vmem>>
    %dma_wait3A_208 = tpu.memref_squeeze %dma_wait3A_207 : memref<1x16x2048xf32, #tpu.memory_space<vmem>> -> memref<16x2048xf32, #tpu.memory_space<vmem>>
    %dma_wait3A_209 = arith.constant 0 : i32
    %dma_wait3A_210 = tpu.memref_slice %arg2[%add3A_39, %dma_wait3A_209] : memref<8192x2048xf32, #tpu.memory_space<hbm>> -> memref<16x2048xf32, #tpu.memory_space<hbm>>
    %dma_wait3A_211 = tpu.memref_slice %arg5[%dma_wait3A_204] : memref<3x!tpu.dma_semaphore, #tpu.memory_space<semaphore_mem>> -> memref<1x!tpu.dma_semaphore, #tpu.memory_space<semaphore_mem>>
    %dma_wait3A_212 = tpu.memref_squeeze %dma_wait3A_211 : memref<1x!tpu.dma_semaphore, #tpu.memory_space<semaphore_mem>> -> memref<!tpu.dma_semaphore, #tpu.memory_space<semaphore_mem>>
    %dma_wait3A_213 = arith.constant 0 : i32
    %dma_wait3A_214 = arith.constant 0 : i32
    %dma_wait3A_215 = tpu.memref_slice %arg4[%dma_wait3A_203, %dma_wait3A_213, %dma_wait3A_214] : memref<3x16x2048xf32, #tpu.memory_space<vmem>> -> memref<1x16x2048xf32, #tpu.memory_space<vmem>>
    %dma_wait3A_216 = tpu.memref_squeeze %dma_wait3A_215 : memref<1x16x2048xf32, #tpu.memory_space<vmem>> -> memref<16x2048xf32, #tpu.memory_space<vmem>>
    %dma_wait3A_217 = arith.constant 0 : i32
    %dma_wait3A_218 = tpu.memref_slice %arg2[%add3A_39, %dma_wait3A_217] : memref<8192x2048xf32, #tpu.memory_space<hbm>> -> memref<16x2048xf32, #tpu.memory_space<hbm>>
    tpu.wait_dma2 semaphore(%dma_wait3A_212 : memref<!tpu.dma_semaphore, #tpu.memory_space<semaphore_mem>>) src(%dma_wait3A_218 : memref<16x2048xf32, #tpu.memory_space<hbm>>) dst(%dma_wait3A_216 : memref<16x2048xf32, #tpu.memory_space<vmem>>)
    %add3A_219 = arith.constant 24 : i32
    %add3A_220 = arith.addi %mul3A_2, %add3A_219 : i32
    %dma_start3A_221 = arith.constant 2 : i32
    %dma_start3A_222 = arith.constant 0 : i32
    %dma_start3A_223 = arith.constant 2 : i32
    %dma_start3A_224 = arith.constant 0 : i32
    %dma_start3A_225 = arith.constant 0 : i32
    %dma_start3A_226 = tpu.memref_slice %arg4[%dma_start3A_221, %dma_start3A_224, %dma_start3A_225] : memref<3x16x2048xf32, #tpu.memory_space<vmem>> -> memref<1x16x2048xf32, #tpu.memory_space<vmem>>
    %dma_start3A_227 = tpu.memref_squeeze %dma_start3A_226 : memref<1x16x2048xf32, #tpu.memory_space<vmem>> -> memref<16x2048xf32, #tpu.memory_space<vmem>>
    %dma_start3A_228 = arith.constant 0 : i32
    %dma_start3A_229 = tpu.memref_slice %arg3[%dma_start3A_222, %add3A_220, %dma_start3A_228] : memref<1x4096x2048xf32, #tpu.memory_space<hbm>> -> memref<1x16x2048xf32, #tpu.memory_space<hbm>>
    %dma_start3A_230 = tpu.memref_squeeze %dma_start3A_229 : memref<1x16x2048xf32, #tpu.memory_space<hbm>> -> memref<16x2048xf32, #tpu.memory_space<hbm>>
    %dma_start3A_231 = tpu.memref_slice %arg6[%dma_start3A_223] : memref<3x!tpu.dma_semaphore, #tpu.memory_space<semaphore_mem>> -> memref<1x!tpu.dma_semaphore, #tpu.memory_space<semaphore_mem>>
    %dma_start3A_232 = tpu.memref_squeeze %dma_start3A_231 : memref<1x!tpu.dma_semaphore, #tpu.memory_space<semaphore_mem>> -> memref<!tpu.dma_semaphore, #tpu.memory_space<semaphore_mem>>
    %dma_start3A_233 = arith.constant 0 : i32
    %dma_start3A_234 = tpu.memref_slice %arg3[%dma_start3A_222, %add3A_220, %dma_start3A_233] : memref<1x4096x2048xf32, #tpu.memory_space<hbm>> -> memref<1x16x2048xf32, #tpu.memory_space<hbm>>
    %dma_start3A_235 = tpu.memref_squeeze %dma_start3A_234 : memref<1x16x2048xf32, #tpu.memory_space<hbm>> -> memref<16x2048xf32, #tpu.memory_space<hbm>>
    %dma_start3A_236 = arith.constant 0 : i32
    %dma_start3A_237 = arith.constant 0 : i32
    %dma_start3A_238 = tpu.memref_slice %arg4[%dma_start3A_221, %dma_start3A_236, %dma_start3A_237] : memref<3x16x2048xf32, #tpu.memory_space<vmem>> -> memref<1x16x2048xf32, #tpu.memory_space<vmem>>
    %dma_start3A_239 = tpu.memref_squeeze %dma_start3A_238 : memref<1x16x2048xf32, #tpu.memory_space<vmem>> -> memref<16x2048xf32, #tpu.memory_space<vmem>>
    tpu.enqueue_dma source(%dma_start3A_239 : memref<16x2048xf32, #tpu.memory_space<vmem>>) target(%dma_start3A_235 : memref<16x2048xf32, #tpu.memory_space<hbm>>) target_semaphore(%dma_start3A_232 : memref<!tpu.dma_semaphore, #tpu.memory_space<semaphore_mem>>)
    %dma_wait3A_240 = arith.constant 2 : i32
    %dma_wait3A_241 = arith.constant 0 : i32
    %dma_wait3A_242 = arith.constant 2 : i32
    %dma_wait3A_243 = arith.constant 0 : i32
    %dma_wait3A_244 = arith.constant 0 : i32
    %dma_wait3A_245 = tpu.memref_slice %arg4[%dma_wait3A_240, %dma_wait3A_243, %dma_wait3A_244] : memref<3x16x2048xf32, #tpu.memory_space<vmem>> -> memref<1x16x2048xf32, #tpu.memory_space<vmem>>
    %dma_wait3A_246 = tpu.memref_squeeze %dma_wait3A_245 : memref<1x16x2048xf32, #tpu.memory_space<vmem>> -> memref<16x2048xf32, #tpu.memory_space<vmem>>
    %dma_wait3A_247 = arith.constant 0 : i32
    %dma_wait3A_248 = tpu.memref_slice %arg3[%dma_wait3A_241, %add3A_220, %dma_wait3A_247] : memref<1x4096x2048xf32, #tpu.memory_space<hbm>> -> memref<1x16x2048xf32, #tpu.memory_space<hbm>>
    %dma_wait3A_249 = tpu.memref_squeeze %dma_wait3A_248 : memref<1x16x2048xf32, #tpu.memory_space<hbm>> -> memref<16x2048xf32, #tpu.memory_space<hbm>>
    %dma_wait3A_250 = tpu.memref_slice %arg6[%dma_wait3A_242] : memref<3x!tpu.dma_semaphore, #tpu.memory_space<semaphore_mem>> -> memref<1x!tpu.dma_semaphore, #tpu.memory_space<semaphore_mem>>
    %dma_wait3A_251 = tpu.memref_squeeze %dma_wait3A_250 : memref<1x!tpu.dma_semaphore, #tpu.memory_space<semaphore_mem>> -> memref<!tpu.dma_semaphore, #tpu.memory_space<semaphore_mem>>
    %dma_wait3A_252 = arith.constant 0 : i32
    %dma_wait3A_253 = tpu.memref_slice %arg3[%dma_wait3A_241, %add3A_220, %dma_wait3A_252] : memref<1x4096x2048xf32, #tpu.memory_space<hbm>> -> memref<1x16x2048xf32, #tpu.memory_space<hbm>>
    %dma_wait3A_254 = tpu.memref_squeeze %dma_wait3A_253 : memref<1x16x2048xf32, #tpu.memory_space<hbm>> -> memref<16x2048xf32, #tpu.memory_space<hbm>>
    %dma_wait3A_255 = arith.constant 0 : i32
    %dma_wait3A_256 = arith.constant 0 : i32
    %dma_wait3A_257 = tpu.memref_slice %arg4[%dma_wait3A_240, %dma_wait3A_255, %dma_wait3A_256] : memref<3x16x2048xf32, #tpu.memory_space<vmem>> -> memref<1x16x2048xf32, #tpu.memory_space<vmem>>
    %dma_wait3A_258 = tpu.memref_squeeze %dma_wait3A_257 : memref<1x16x2048xf32, #tpu.memory_space<vmem>> -> memref<16x2048xf32, #tpu.memory_space<vmem>>
    tpu.wait_dma2 semaphore(%dma_wait3A_251 : memref<!tpu.dma_semaphore, #tpu.memory_space<semaphore_mem>>) src(%dma_wait3A_258 : memref<16x2048xf32, #tpu.memory_space<vmem>>) dst(%dma_wait3A_254 : memref<16x2048xf32, #tpu.memory_space<hbm>>)
    %add3A_259 = arith.constant 72 : i32
    %add3A_260 = arith.addi %mul3A_2, %add3A_259 : i32
    %dma_start3A_261 = arith.constant 2 : i32
    %dma_start3A_262 = arith.constant 2 : i32
    %dma_start3A_263 = arith.constant 0 : i32
    %dma_start3A_264 = arith.constant 0 : i32
    %dma_start3A_265 = tpu.memref_slice %arg4[%dma_start3A_261, %dma_start3A_263, %dma_start3A_264] : memref<3x16x2048xf32, #tpu.memory_space<vmem>> -> memref<1x16x2048xf32, #tpu.memory_space<vmem>>
    %dma_start3A_266 = tpu.memref_squeeze %dma_start3A_265 : memref<1x16x2048xf32, #tpu.memory_space<vmem>> -> memref<16x2048xf32, #tpu.memory_space<vmem>>
    %dma_start3A_267 = arith.constant 0 : i32
    %dma_start3A_268 = tpu.memref_slice %arg2[%add3A_260, %dma_start3A_267] : memref<8192x2048xf32, #tpu.memory_space<hbm>> -> memref<16x2048xf32, #tpu.memory_space<hbm>>
    %dma_start3A_269 = tpu.memref_slice %arg5[%dma_start3A_262] : memref<3x!tpu.dma_semaphore, #tpu.memory_space<semaphore_mem>> -> memref<1x!tpu.dma_semaphore, #tpu.memory_space<semaphore_mem>>
    %dma_start3A_270 = tpu.memref_squeeze %dma_start3A_269 : memref<1x!tpu.dma_semaphore, #tpu.memory_space<semaphore_mem>> -> memref<!tpu.dma_semaphore, #tpu.memory_space<semaphore_mem>>
    %dma_start3A_271 = arith.constant 0 : i32
    %dma_start3A_272 = arith.constant 0 : i32
    %dma_start3A_273 = tpu.memref_slice %arg4[%dma_start3A_261, %dma_start3A_271, %dma_start3A_272] : memref<3x16x2048xf32, #tpu.memory_space<vmem>> -> memref<1x16x2048xf32, #tpu.memory_space<vmem>>
    %dma_start3A_274 = tpu.memref_squeeze %dma_start3A_273 : memref<1x16x2048xf32, #tpu.memory_space<vmem>> -> memref<16x2048xf32, #tpu.memory_space<vmem>>
    %dma_start3A_275 = arith.constant 0 : i32
    %dma_start3A_276 = tpu.memref_slice %arg2[%add3A_260, %dma_start3A_275] : memref<8192x2048xf32, #tpu.memory_space<hbm>> -> memref<16x2048xf32, #tpu.memory_space<hbm>>
    tpu.enqueue_dma source(%dma_start3A_276 : memref<16x2048xf32, #tpu.memory_space<hbm>>) target(%dma_start3A_274 : memref<16x2048xf32, #tpu.memory_space<vmem>>) target_semaphore(%dma_start3A_270 : memref<!tpu.dma_semaphore, #tpu.memory_space<semaphore_mem>>)
    %dma_wait3A_277 = arith.constant 0 : i32
    %dma_wait3A_278 = arith.constant 0 : i32
    %dma_wait3A_279 = arith.constant 0 : i32
    %dma_wait3A_280 = arith.constant 0 : i32
    %dma_wait3A_281 = tpu.memref_slice %arg4[%dma_wait3A_277, %dma_wait3A_279, %dma_wait3A_280] : memref<3x16x2048xf32, #tpu.memory_space<vmem>> -> memref<1x16x2048xf32, #tpu.memory_space<vmem>>
    %dma_wait3A_282 = tpu.memref_squeeze %dma_wait3A_281 : memref<1x16x2048xf32, #tpu.memory_space<vmem>> -> memref<16x2048xf32, #tpu.memory_space<vmem>>
    %dma_wait3A_283 = arith.constant 0 : i32
    %dma_wait3A_284 = tpu.memref_slice %arg2[%add3A_112, %dma_wait3A_283] : memref<8192x2048xf32, #tpu.memory_space<hbm>> -> memref<16x2048xf32, #tpu.memory_space<hbm>>
    %dma_wait3A_285 = tpu.memref_slice %arg5[%dma_wait3A_278] : memref<3x!tpu.dma_semaphore, #tpu.memory_space<semaphore_mem>> -> memref<1x!tpu.dma_semaphore, #tpu.memory_space<semaphore_mem>>
    %dma_wait3A_286 = tpu.memref_squeeze %dma_wait3A_285 : memref<1x!tpu.dma_semaphore, #tpu.memory_space<semaphore_mem>> -> memref<!tpu.dma_semaphore, #tpu.memory_space<semaphore_mem>>
    %dma_wait3A_287 = arith.constant 0 : i32
    %dma_wait3A_288 = arith.constant 0 : i32
    %dma_wait3A_289 = tpu.memref_slice %arg4[%dma_wait3A_277, %dma_wait3A_287, %dma_wait3A_288] : memref<3x16x2048xf32, #tpu.memory_space<vmem>> -> memref<1x16x2048xf32, #tpu.memory_space<vmem>>
    %dma_wait3A_290 = tpu.memref_squeeze %dma_wait3A_289 : memref<1x16x2048xf32, #tpu.memory_space<vmem>> -> memref<16x2048xf32, #tpu.memory_space<vmem>>
    %dma_wait3A_291 = arith.constant 0 : i32
    %dma_wait3A_292 = tpu.memref_slice %arg2[%add3A_112, %dma_wait3A_291] : memref<8192x2048xf32, #tpu.memory_space<hbm>> -> memref<16x2048xf32, #tpu.memory_space<hbm>>
    tpu.wait_dma2 semaphore(%dma_wait3A_286 : memref<!tpu.dma_semaphore, #tpu.memory_space<semaphore_mem>>) src(%dma_wait3A_292 : memref<16x2048xf32, #tpu.memory_space<hbm>>) dst(%dma_wait3A_290 : memref<16x2048xf32, #tpu.memory_space<vmem>>)
    %add3A_293 = arith.constant 40 : i32
    %add3A_294 = arith.addi %mul3A_2, %add3A_293 : i32
    %dma_start3A_295 = arith.constant 0 : i32
    %dma_start3A_296 = arith.constant 0 : i32
    %dma_start3A_297 = arith.constant 0 : i32
    %dma_start3A_298 = arith.constant 0 : i32
    %dma_start3A_299 = arith.constant 0 : i32
    %dma_start3A_300 = tpu.memref_slice %arg4[%dma_start3A_295, %dma_start3A_298, %dma_start3A_299] : memref<3x16x2048xf32, #tpu.memory_space<vmem>> -> memref<1x16x2048xf32, #tpu.memory_space<vmem>>
    %dma_start3A_301 = tpu.memref_squeeze %dma_start3A_300 : memref<1x16x2048xf32, #tpu.memory_space<vmem>> -> memref<16x2048xf32, #tpu.memory_space<vmem>>
    %dma_start3A_302 = arith.constant 0 : i32
    %dma_start3A_303 = tpu.memref_slice %arg3[%dma_start3A_296, %add3A_294, %dma_start3A_302] : memref<1x4096x2048xf32, #tpu.memory_space<hbm>> -> memref<1x16x2048xf32, #tpu.memory_space<hbm>>
    %dma_start3A_304 = tpu.memref_squeeze %dma_start3A_303 : memref<1x16x2048xf32, #tpu.memory_space<hbm>> -> memref<16x2048xf32, #tpu.memory_space<hbm>>
    %dma_start3A_305 = tpu.memref_slice %arg6[%dma_start3A_297] : memref<3x!tpu.dma_semaphore, #tpu.memory_space<semaphore_mem>> -> memref<1x!tpu.dma_semaphore, #tpu.memory_space<semaphore_mem>>
    %dma_start3A_306 = tpu.memref_squeeze %dma_start3A_305 : memref<1x!tpu.dma_semaphore, #tpu.memory_space<semaphore_mem>> -> memref<!tpu.dma_semaphore, #tpu.memory_space<semaphore_mem>>
    %dma_start3A_307 = arith.constant 0 : i32
    %dma_start3A_308 = tpu.memref_slice %arg3[%dma_start3A_296, %add3A_294, %dma_start3A_307] : memref<1x4096x2048xf32, #tpu.memory_space<hbm>> -> memref<1x16x2048xf32, #tpu.memory_space<hbm>>
    %dma_start3A_309 = tpu.memref_squeeze %dma_start3A_308 : memref<1x16x2048xf32, #tpu.memory_space<hbm>> -> memref<16x2048xf32, #tpu.memory_space<hbm>>
    %dma_start3A_310 = arith.constant 0 : i32
    %dma_start3A_311 = arith.constant 0 : i32
    %dma_start3A_312 = tpu.memref_slice %arg4[%dma_start3A_295, %dma_start3A_310, %dma_start3A_311] : memref<3x16x2048xf32, #tpu.memory_space<vmem>> -> memref<1x16x2048xf32, #tpu.memory_space<vmem>>
    %dma_start3A_313 = tpu.memref_squeeze %dma_start3A_312 : memref<1x16x2048xf32, #tpu.memory_space<vmem>> -> memref<16x2048xf32, #tpu.memory_space<vmem>>
    tpu.enqueue_dma source(%dma_start3A_313 : memref<16x2048xf32, #tpu.memory_space<vmem>>) target(%dma_start3A_309 : memref<16x2048xf32, #tpu.memory_space<hbm>>) target_semaphore(%dma_start3A_306 : memref<!tpu.dma_semaphore, #tpu.memory_space<semaphore_mem>>)
    %dma_wait3A_314 = arith.constant 0 : i32
    %dma_wait3A_315 = arith.constant 0 : i32
    %dma_wait3A_316 = arith.constant 0 : i32
    %dma_wait3A_317 = arith.constant 0 : i32
    %dma_wait3A_318 = arith.constant 0 : i32
    %dma_wait3A_319 = tpu.memref_slice %arg4[%dma_wait3A_314, %dma_wait3A_317, %dma_wait3A_318] : memref<3x16x2048xf32, #tpu.memory_space<vmem>> -> memref<1x16x2048xf32, #tpu.memory_space<vmem>>
    %dma_wait3A_320 = tpu.memref_squeeze %dma_wait3A_319 : memref<1x16x2048xf32, #tpu.memory_space<vmem>> -> memref<16x2048xf32, #tpu.memory_space<vmem>>
    %dma_wait3A_321 = arith.constant 0 : i32
    %dma_wait3A_322 = tpu.memref_slice %arg3[%dma_wait3A_315, %add3A_294, %dma_wait3A_321] : memref<1x4096x2048xf32, #tpu.memory_space<hbm>> -> memref<1x16x2048xf32, #tpu.memory_space<hbm>>
    %dma_wait3A_323 = tpu.memref_squeeze %dma_wait3A_322 : memref<1x16x2048xf32, #tpu.memory_space<hbm>> -> memref<16x2048xf32, #tpu.memory_space<hbm>>
    %dma_wait3A_324 = tpu.memref_slice %arg6[%dma_wait3A_316] : memref<3x!tpu.dma_semaphore, #tpu.memory_space<semaphore_mem>> -> memref<1x!tpu.dma_semaphore, #tpu.memory_space<semaphore_mem>>
    %dma_wait3A_325 = tpu.memref_squeeze %dma_wait3A_324 : memref<1x!tpu.dma_semaphore, #tpu.memory_space<semaphore_mem>> -> memref<!tpu.dma_semaphore, #tpu.memory_space<semaphore_mem>>
    %dma_wait3A_326 = arith.constant 0 : i32
    %dma_wait3A_327 = tpu.memref_slice %arg3[%dma_wait3A_315, %add3A_294, %dma_wait3A_326] : memref<1x4096x2048xf32, #tpu.memory_space<hbm>> -> memref<1x16x2048xf32, #tpu.memory_space<hbm>>
    %dma_wait3A_328 = tpu.memref_squeeze %dma_wait3A_327 : memref<1x16x2048xf32, #tpu.memory_space<hbm>> -> memref<16x2048xf32, #tpu.memory_space<hbm>>
    %dma_wait3A_329 = arith.constant 0 : i32
    %dma_wait3A_330 = arith.constant 0 : i32
    %dma_wait3A_331 = tpu.memref_slice %arg4[%dma_wait3A_314, %dma_wait3A_329, %dma_wait3A_330] : memref<3x16x2048xf32, #tpu.memory_space<vmem>> -> memref<1x16x2048xf32, #tpu.memory_space<vmem>>
    %dma_wait3A_332 = tpu.memref_squeeze %dma_wait3A_331 : memref<1x16x2048xf32, #tpu.memory_space<vmem>> -> memref<16x2048xf32, #tpu.memory_space<vmem>>
    tpu.wait_dma2 semaphore(%dma_wait3A_325 : memref<!tpu.dma_semaphore, #tpu.memory_space<semaphore_mem>>) src(%dma_wait3A_332 : memref<16x2048xf32, #tpu.memory_space<vmem>>) dst(%dma_wait3A_328 : memref<16x2048xf32, #tpu.memory_space<hbm>>)
    %add3A_333 = arith.constant 88 : i32
    %add3A_334 = arith.addi %mul3A_2, %add3A_333 : i32
    %dma_start3A_335 = arith.constant 0 : i32
    %dma_start3A_336 = arith.constant 0 : i32
    %dma_start3A_337 = arith.constant 0 : i32
    %dma_start3A_338 = arith.constant 0 : i32
    %dma_start3A_339 = tpu.memref_slice %arg4[%dma_start3A_335, %dma_start3A_337, %dma_start3A_338] : memref<3x16x2048xf32, #tpu.memory_space<vmem>> -> memref<1x16x2048xf32, #tpu.memory_space<vmem>>
    %dma_start3A_340 = tpu.memref_squeeze %dma_start3A_339 : memref<1x16x2048xf32, #tpu.memory_space<vmem>> -> memref<16x2048xf32, #tpu.memory_space<vmem>>
    %dma_start3A_341 = arith.constant 0 : i32
    %dma_start3A_342 = tpu.memref_slice %arg2[%add3A_334, %dma_start3A_341] : memref<8192x2048xf32, #tpu.memory_space<hbm>> -> memref<16x2048xf32, #tpu.memory_space<hbm>>
    %dma_start3A_343 = tpu.memref_slice %arg5[%dma_start3A_336] : memref<3x!tpu.dma_semaphore, #tpu.memory_space<semaphore_mem>> -> memref<1x!tpu.dma_semaphore, #tpu.memory_space<semaphore_mem>>
    %dma_start3A_344 = tpu.memref_squeeze %dma_start3A_343 : memref<1x!tpu.dma_semaphore, #tpu.memory_space<semaphore_mem>> -> memref<!tpu.dma_semaphore, #tpu.memory_space<semaphore_mem>>
    %dma_start3A_345 = arith.constant 0 : i32
    %dma_start3A_346 = arith.constant 0 : i32
    %dma_start3A_347 = tpu.memref_slice %arg4[%dma_start3A_335, %dma_start3A_345, %dma_start3A_346] : memref<3x16x2048xf32, #tpu.memory_space<vmem>> -> memref<1x16x2048xf32, #tpu.memory_space<vmem>>
    %dma_start3A_348 = tpu.memref_squeeze %dma_start3A_347 : memref<1x16x2048xf32, #tpu.memory_space<vmem>> -> memref<16x2048xf32, #tpu.memory_space<vmem>>
    %dma_start3A_349 = arith.constant 0 : i32
    %dma_start3A_350 = tpu.memref_slice %arg2[%add3A_334, %dma_start3A_349] : memref<8192x2048xf32, #tpu.memory_space<hbm>> -> memref<16x2048xf32, #tpu.memory_space<hbm>>
    tpu.enqueue_dma source(%dma_start3A_350 : memref<16x2048xf32, #tpu.memory_space<hbm>>) target(%dma_start3A_348 : memref<16x2048xf32, #tpu.memory_space<vmem>>) target_semaphore(%dma_start3A_344 : memref<!tpu.dma_semaphore, #tpu.memory_space<semaphore_mem>>)
    %dma_wait3A_351 = arith.constant 1 : i32
    %dma_wait3A_352 = arith.constant 1 : i32
    %dma_wait3A_353 = arith.constant 0 : i32
    %dma_wait3A_354 = arith.constant 0 : i32
    %dma_wait3A_355 = tpu.memref_slice %arg4[%dma_wait3A_351, %dma_wait3A_353, %dma_wait3A_354] : memref<3x16x2048xf32, #tpu.memory_space<vmem>> -> memref<1x16x2048xf32, #tpu.memory_space<vmem>>
    %dma_wait3A_356 = tpu.memref_squeeze %dma_wait3A_355 : memref<1x16x2048xf32, #tpu.memory_space<vmem>> -> memref<16x2048xf32, #tpu.memory_space<vmem>>
    %dma_wait3A_357 = arith.constant 0 : i32
    %dma_wait3A_358 = tpu.memref_slice %arg2[%add3A_186, %dma_wait3A_357] : memref<8192x2048xf32, #tpu.memory_space<hbm>> -> memref<16x2048xf32, #tpu.memory_space<hbm>>
    %dma_wait3A_359 = tpu.memref_slice %arg5[%dma_wait3A_352] : memref<3x!tpu.dma_semaphore, #tpu.memory_space<semaphore_mem>> -> memref<1x!tpu.dma_semaphore, #tpu.memory_space<semaphore_mem>>
    %dma_wait3A_360 = tpu.memref_squeeze %dma_wait3A_359 : memref<1x!tpu.dma_semaphore, #tpu.memory_space<semaphore_mem>> -> memref<!tpu.dma_semaphore, #tpu.memory_space<semaphore_mem>>
    %dma_wait3A_361 = arith.constant 0 : i32
    %dma_wait3A_362 = arith.constant 0 : i32
    %dma_wait3A_363 = tpu.memref_slice %arg4[%dma_wait3A_351, %dma_wait3A_361, %dma_wait3A_362] : memref<3x16x2048xf32, #tpu.memory_space<vmem>> -> memref<1x16x2048xf32, #tpu.memory_space<vmem>>
    %dma_wait3A_364 = tpu.memref_squeeze %dma_wait3A_363 : memref<1x16x2048xf32, #tpu.memory_space<vmem>> -> memref<16x2048xf32, #tpu.memory_space<vmem>>
    %dma_wait3A_365 = arith.constant 0 : i32
    %dma_wait3A_366 = tpu.memref_slice %arg2[%add3A_186, %dma_wait3A_365] : memref<8192x2048xf32, #tpu.memory_space<hbm>> -> memref<16x2048xf32, #tpu.memory_space<hbm>>
    tpu.wait_dma2 semaphore(%dma_wait3A_360 : memref<!tpu.dma_semaphore, #tpu.memory_space<semaphore_mem>>) src(%dma_wait3A_366 : memref<16x2048xf32, #tpu.memory_space<hbm>>) dst(%dma_wait3A_364 : memref<16x2048xf32, #tpu.memory_space<vmem>>)
    %add3A_367 = arith.constant 56 : i32
    %add3A_368 = arith.addi %mul3A_2, %add3A_367 : i32
    %dma_start3A_369 = arith.constant 1 : i32
    %dma_start3A_370 = arith.constant 0 : i32
    %dma_start3A_371 = arith.constant 1 : i32
    %dma_start3A_372 = arith.constant 0 : i32
    %dma_start3A_373 = arith.constant 0 : i32
    %dma_start3A_374 = tpu.memref_slice %arg4[%dma_start3A_369, %dma_start3A_372, %dma_start3A_373] : memref<3x16x2048xf32, #tpu.memory_space<vmem>> -> memref<1x16x2048xf32, #tpu.memory_space<vmem>>
    %dma_start3A_375 = tpu.memref_squeeze %dma_start3A_374 : memref<1x16x2048xf32, #tpu.memory_space<vmem>> -> memref<16x2048xf32, #tpu.memory_space<vmem>>
    %dma_start3A_376 = arith.constant 0 : i32
    %dma_start3A_377 = tpu.memref_slice %arg3[%dma_start3A_370, %add3A_368, %dma_start3A_376] : memref<1x4096x2048xf32, #tpu.memory_space<hbm>> -> memref<1x16x2048xf32, #tpu.memory_space<hbm>>
    %dma_start3A_378 = tpu.memref_squeeze %dma_start3A_377 : memref<1x16x2048xf32, #tpu.memory_space<hbm>> -> memref<16x2048xf32, #tpu.memory_space<hbm>>
    %dma_start3A_379 = tpu.memref_slice %arg6[%dma_start3A_371] : memref<3x!tpu.dma_semaphore, #tpu.memory_space<semaphore_mem>> -> memref<1x!tpu.dma_semaphore, #tpu.memory_space<semaphore_mem>>
    %dma_start3A_380 = tpu.memref_squeeze %dma_start3A_379 : memref<1x!tpu.dma_semaphore, #tpu.memory_space<semaphore_mem>> -> memref<!tpu.dma_semaphore, #tpu.memory_space<semaphore_mem>>
    %dma_start3A_381 = arith.constant 0 : i32
    %dma_start3A_382 = tpu.memref_slice %arg3[%dma_start3A_370, %add3A_368, %dma_start3A_381] : memref<1x4096x2048xf32, #tpu.memory_space<hbm>> -> memref<1x16x2048xf32, #tpu.memory_space<hbm>>
    %dma_start3A_383 = tpu.memref_squeeze %dma_start3A_382 : memref<1x16x2048xf32, #tpu.memory_space<hbm>> -> memref<16x2048xf32, #tpu.memory_space<hbm>>
    %dma_start3A_384 = arith.constant 0 : i32
    %dma_start3A_385 = arith.constant 0 : i32
    %dma_start3A_386 = tpu.memref_slice %arg4[%dma_start3A_369, %dma_start3A_384, %dma_start3A_385] : memref<3x16x2048xf32, #tpu.memory_space<vmem>> -> memref<1x16x2048xf32, #tpu.memory_space<vmem>>
    %dma_start3A_387 = tpu.memref_squeeze %dma_start3A_386 : memref<1x16x2048xf32, #tpu.memory_space<vmem>> -> memref<16x2048xf32, #tpu.memory_space<vmem>>
    tpu.enqueue_dma source(%dma_start3A_387 : memref<16x2048xf32, #tpu.memory_space<vmem>>) target(%dma_start3A_383 : memref<16x2048xf32, #tpu.memory_space<hbm>>) target_semaphore(%dma_start3A_380 : memref<!tpu.dma_semaphore, #tpu.memory_space<semaphore_mem>>)
    %dma_wait3A_388 = arith.constant 1 : i32
    %dma_wait3A_389 = arith.constant 0 : i32
    %dma_wait3A_390 = arith.constant 1 : i32
    %dma_wait3A_391 = arith.constant 0 : i32
    %dma_wait3A_392 = arith.constant 0 : i32
    %dma_wait3A_393 = tpu.memref_slice %arg4[%dma_wait3A_388, %dma_wait3A_391, %dma_wait3A_392] : memref<3x16x2048xf32, #tpu.memory_space<vmem>> -> memref<1x16x2048xf32, #tpu.memory_space<vmem>>
    %dma_wait3A_394 = tpu.memref_squeeze %dma_wait3A_393 : memref<1x16x2048xf32, #tpu.memory_space<vmem>> -> memref<16x2048xf32, #tpu.memory_space<vmem>>
    %dma_wait3A_395 = arith.constant 0 : i32
    %dma_wait3A_396 = tpu.memref_slice %arg3[%dma_wait3A_389, %add3A_368, %dma_wait3A_395] : memref<1x4096x2048xf32, #tpu.memory_space<hbm>> -> memref<1x16x2048xf32, #tpu.memory_space<hbm>>
    %dma_wait3A_397 = tpu.memref_squeeze %dma_wait3A_396 : memref<1x16x2048xf32, #tpu.memory_space<hbm>> -> memref<16x2048xf32, #tpu.memory_space<hbm>>
    %dma_wait3A_398 = tpu.memref_slice %arg6[%dma_wait3A_390] : memref<3x!tpu.dma_semaphore, #tpu.memory_space<semaphore_mem>> -> memref<1x!tpu.dma_semaphore, #tpu.memory_space<semaphore_mem>>
    %dma_wait3A_399 = tpu.memref_squeeze %dma_wait3A_398 : memref<1x!tpu.dma_semaphore, #tpu.memory_space<semaphore_mem>> -> memref<!tpu.dma_semaphore, #tpu.memory_space<semaphore_mem>>
    %dma_wait3A_400 = arith.constant 0 : i32
    %dma_wait3A_401 = tpu.memref_slice %arg3[%dma_wait3A_389, %add3A_368, %dma_wait3A_400] : memref<1x4096x2048xf32, #tpu.memory_space<hbm>> -> memref<1x16x2048xf32, #tpu.memory_space<hbm>>
    %dma_wait3A_402 = tpu.memref_squeeze %dma_wait3A_401 : memref<1x16x2048xf32, #tpu.memory_space<hbm>> -> memref<16x2048xf32, #tpu.memory_space<hbm>>
    %dma_wait3A_403 = arith.constant 0 : i32
    %dma_wait3A_404 = arith.constant 0 : i32
    %dma_wait3A_405 = tpu.memref_slice %arg4[%dma_wait3A_388, %dma_wait3A_403, %dma_wait3A_404] : memref<3x16x2048xf32, #tpu.memory_space<vmem>> -> memref<1x16x2048xf32, #tpu.memory_space<vmem>>
    %dma_wait3A_406 = tpu.memref_squeeze %dma_wait3A_405 : memref<1x16x2048xf32, #tpu.memory_space<vmem>> -> memref<16x2048xf32, #tpu.memory_space<vmem>>
    tpu.wait_dma2 semaphore(%dma_wait3A_399 : memref<!tpu.dma_semaphore, #tpu.memory_space<semaphore_mem>>) src(%dma_wait3A_406 : memref<16x2048xf32, #tpu.memory_space<vmem>>) dst(%dma_wait3A_402 : memref<16x2048xf32, #tpu.memory_space<hbm>>)
    %add3A_407 = arith.constant 104 : i32
    %add3A_408 = arith.addi %mul3A_2, %add3A_407 : i32
    %dma_start3A_409 = arith.constant 1 : i32
    %dma_start3A_410 = arith.constant 1 : i32
    %dma_start3A_411 = arith.constant 0 : i32
    %dma_start3A_412 = arith.constant 0 : i32
    %dma_start3A_413 = tpu.memref_slice %arg4[%dma_start3A_409, %dma_start3A_411, %dma_start3A_412] : memref<3x16x2048xf32, #tpu.memory_space<vmem>> -> memref<1x16x2048xf32, #tpu.memory_space<vmem>>
    %dma_start3A_414 = tpu.memref_squeeze %dma_start3A_413 : memref<1x16x2048xf32, #tpu.memory_space<vmem>> -> memref<16x2048xf32, #tpu.memory_space<vmem>>
    %dma_start3A_415 = arith.constant 0 : i32
    %dma_start3A_416 = tpu.memref_slice %arg2[%add3A_408, %dma_start3A_415] : memref<8192x2048xf32, #tpu.memory_space<hbm>> -> memref<16x2048xf32, #tpu.memory_space<hbm>>
    %dma_start3A_417 = tpu.memref_slice %arg5[%dma_start3A_410] : memref<3x!tpu.dma_semaphore, #tpu.memory_space<semaphore_mem>> -> memref<1x!tpu.dma_semaphore, #tpu.memory_space<semaphore_mem>>
    %dma_start3A_418 = tpu.memref_squeeze %dma_start3A_417 : memref<1x!tpu.dma_semaphore, #tpu.memory_space<semaphore_mem>> -> memref<!tpu.dma_semaphore, #tpu.memory_space<semaphore_mem>>
    %dma_start3A_419 = arith.constant 0 : i32
    %dma_start3A_420 = arith.constant 0 : i32
    %dma_start3A_421 = tpu.memref_slice %arg4[%dma_start3A_409, %dma_start3A_419, %dma_start3A_420] : memref<3x16x2048xf32, #tpu.memory_space<vmem>> -> memref<1x16x2048xf32, #tpu.memory_space<vmem>>
    %dma_start3A_422 = tpu.memref_squeeze %dma_start3A_421 : memref<1x16x2048xf32, #tpu.memory_space<vmem>> -> memref<16x2048xf32, #tpu.memory_space<vmem>>
    %dma_start3A_423 = arith.constant 0 : i32
    %dma_start3A_424 = tpu.memref_slice %arg2[%add3A_408, %dma_start3A_423] : memref<8192x2048xf32, #tpu.memory_space<hbm>> -> memref<16x2048xf32, #tpu.memory_space<hbm>>
    tpu.enqueue_dma source(%dma_start3A_424 : memref<16x2048xf32, #tpu.memory_space<hbm>>) target(%dma_start3A_422 : memref<16x2048xf32, #tpu.memory_space<vmem>>) target_semaphore(%dma_start3A_418 : memref<!tpu.dma_semaphore, #tpu.memory_space<semaphore_mem>>)
    %dma_wait3A_425 = arith.constant 2 : i32
    %dma_wait3A_426 = arith.constant 2 : i32
    %dma_wait3A_427 = arith.constant 0 : i32
    %dma_wait3A_428 = arith.constant 0 : i32
    %dma_wait3A_429 = tpu.memref_slice %arg4[%dma_wait3A_425, %dma_wait3A_427, %dma_wait3A_428] : memref<3x16x2048xf32, #tpu.memory_space<vmem>> -> memref<1x16x2048xf32, #tpu.memory_space<vmem>>
    %dma_wait3A_430 = tpu.memref_squeeze %dma_wait3A_429 : memref<1x16x2048xf32, #tpu.memory_space<vmem>> -> memref<16x2048xf32, #tpu.memory_space<vmem>>
    %dma_wait3A_431 = arith.constant 0 : i32
    %dma_wait3A_432 = tpu.memref_slice %arg2[%add3A_260, %dma_wait3A_431] : memref<8192x2048xf32, #tpu.memory_space<hbm>> -> memref<16x2048xf32, #tpu.memory_space<hbm>>
    %dma_wait3A_433 = tpu.memref_slice %arg5[%dma_wait3A_426] : memref<3x!tpu.dma_semaphore, #tpu.memory_space<semaphore_mem>> -> memref<1x!tpu.dma_semaphore, #tpu.memory_space<semaphore_mem>>
    %dma_wait3A_434 = tpu.memref_squeeze %dma_wait3A_433 : memref<1x!tpu.dma_semaphore, #tpu.memory_space<semaphore_mem>> -> memref<!tpu.dma_semaphore, #tpu.memory_space<semaphore_mem>>
    %dma_wait3A_435 = arith.constant 0 : i32
    %dma_wait3A_436 = arith.constant 0 : i32
    %dma_wait3A_437 = tpu.memref_slice %arg4[%dma_wait3A_425, %dma_wait3A_435, %dma_wait3A_436] : memref<3x16x2048xf32, #tpu.memory_space<vmem>> -> memref<1x16x2048xf32, #tpu.memory_space<vmem>>
    %dma_wait3A_438 = tpu.memref_squeeze %dma_wait3A_437 : memref<1x16x2048xf32, #tpu.memory_space<vmem>> -> memref<16x2048xf32, #tpu.memory_space<vmem>>
    %dma_wait3A_439 = arith.constant 0 : i32
    %dma_wait3A_440 = tpu.memref_slice %arg2[%add3A_260, %dma_wait3A_439] : memref<8192x2048xf32, #tpu.memory_space<hbm>> -> memref<16x2048xf32, #tpu.memory_space<hbm>>
    tpu.wait_dma2 semaphore(%dma_wait3A_434 : memref<!tpu.dma_semaphore, #tpu.memory_space<semaphore_mem>>) src(%dma_wait3A_440 : memref<16x2048xf32, #tpu.memory_space<hbm>>) dst(%dma_wait3A_438 : memref<16x2048xf32, #tpu.memory_space<vmem>>)
    %add3A_441 = arith.constant 72 : i32
    %add3A_442 = arith.addi %mul3A_2, %add3A_441 : i32
    %dma_start3A_443 = arith.constant 2 : i32
    %dma_start3A_444 = arith.constant 0 : i32
    %dma_start3A_445 = arith.constant 2 : i32
    %dma_start3A_446 = arith.constant 0 : i32
    %dma_start3A_447 = arith.constant 0 : i32
    %dma_start3A_448 = tpu.memref_slice %arg4[%dma_start3A_443, %dma_start3A_446, %dma_start3A_447] : memref<3x16x2048xf32, #tpu.memory_space<vmem>> -> memref<1x16x2048xf32, #tpu.memory_space<vmem>>
    %dma_start3A_449 = tpu.memref_squeeze %dma_start3A_448 : memref<1x16x2048xf32, #tpu.memory_space<vmem>> -> memref<16x2048xf32, #tpu.memory_space<vmem>>
    %dma_start3A_450 = arith.constant 0 : i32
    %dma_start3A_451 = tpu.memref_slice %arg3[%dma_start3A_444, %add3A_442, %dma_start3A_450] : memref<1x4096x2048xf32, #tpu.memory_space<hbm>> -> memref<1x16x2048xf32, #tpu.memory_space<hbm>>
    %dma_start3A_452 = tpu.memref_squeeze %dma_start3A_451 : memref<1x16x2048xf32, #tpu.memory_space<hbm>> -> memref<16x2048xf32, #tpu.memory_space<hbm>>
    %dma_start3A_453 = tpu.memref_slice %arg6[%dma_start3A_445] : memref<3x!tpu.dma_semaphore, #tpu.memory_space<semaphore_mem>> -> memref<1x!tpu.dma_semaphore, #tpu.memory_space<semaphore_mem>>
    %dma_start3A_454 = tpu.memref_squeeze %dma_start3A_453 : memref<1x!tpu.dma_semaphore, #tpu.memory_space<semaphore_mem>> -> memref<!tpu.dma_semaphore, #tpu.memory_space<semaphore_mem>>
    %dma_start3A_455 = arith.constant 0 : i32
    %dma_start3A_456 = tpu.memref_slice %arg3[%dma_start3A_444, %add3A_442, %dma_start3A_455] : memref<1x4096x2048xf32, #tpu.memory_space<hbm>> -> memref<1x16x2048xf32, #tpu.memory_space<hbm>>
    %dma_start3A_457 = tpu.memref_squeeze %dma_start3A_456 : memref<1x16x2048xf32, #tpu.memory_space<hbm>> -> memref<16x2048xf32, #tpu.memory_space<hbm>>
    %dma_start3A_458 = arith.constant 0 : i32
    %dma_start3A_459 = arith.constant 0 : i32
    %dma_start3A_460 = tpu.memref_slice %arg4[%dma_start3A_443, %dma_start3A_458, %dma_start3A_459] : memref<3x16x2048xf32, #tpu.memory_space<vmem>> -> memref<1x16x2048xf32, #tpu.memory_space<vmem>>
    %dma_start3A_461 = tpu.memref_squeeze %dma_start3A_460 : memref<1x16x2048xf32, #tpu.memory_space<vmem>> -> memref<16x2048xf32, #tpu.memory_space<vmem>>
    tpu.enqueue_dma source(%dma_start3A_461 : memref<16x2048xf32, #tpu.memory_space<vmem>>) target(%dma_start3A_457 : memref<16x2048xf32, #tpu.memory_space<hbm>>) target_semaphore(%dma_start3A_454 : memref<!tpu.dma_semaphore, #tpu.memory_space<semaphore_mem>>)
    %dma_wait3A_462 = arith.constant 2 : i32
    %dma_wait3A_463 = arith.constant 0 : i32
    %dma_wait3A_464 = arith.constant 2 : i32
    %dma_wait3A_465 = arith.constant 0 : i32
    %dma_wait3A_466 = arith.constant 0 : i32
    %dma_wait3A_467 = tpu.memref_slice %arg4[%dma_wait3A_462, %dma_wait3A_465, %dma_wait3A_466] : memref<3x16x2048xf32, #tpu.memory_space<vmem>> -> memref<1x16x2048xf32, #tpu.memory_space<vmem>>
    %dma_wait3A_468 = tpu.memref_squeeze %dma_wait3A_467 : memref<1x16x2048xf32, #tpu.memory_space<vmem>> -> memref<16x2048xf32, #tpu.memory_space<vmem>>
    %dma_wait3A_469 = arith.constant 0 : i32
    %dma_wait3A_470 = tpu.memref_slice %arg3[%dma_wait3A_463, %add3A_442, %dma_wait3A_469] : memref<1x4096x2048xf32, #tpu.memory_space<hbm>> -> memref<1x16x2048xf32, #tpu.memory_space<hbm>>
    %dma_wait3A_471 = tpu.memref_squeeze %dma_wait3A_470 : memref<1x16x2048xf32, #tpu.memory_space<hbm>> -> memref<16x2048xf32, #tpu.memory_space<hbm>>
    %dma_wait3A_472 = tpu.memref_slice %arg6[%dma_wait3A_464] : memref<3x!tpu.dma_semaphore, #tpu.memory_space<semaphore_mem>> -> memref<1x!tpu.dma_semaphore, #tpu.memory_space<semaphore_mem>>
    %dma_wait3A_473 = tpu.memref_squeeze %dma_wait3A_472 : memref<1x!tpu.dma_semaphore, #tpu.memory_space<semaphore_mem>> -> memref<!tpu.dma_semaphore, #tpu.memory_space<semaphore_mem>>
    %dma_wait3A_474 = arith.constant 0 : i32
    %dma_wait3A_475 = tpu.memref_slice %arg3[%dma_wait3A_463, %add3A_442, %dma_wait3A_474] : memref<1x4096x2048xf32, #tpu.memory_space<hbm>> -> memref<1x16x2048xf32, #tpu.memory_space<hbm>>
    %dma_wait3A_476 = tpu.memref_squeeze %dma_wait3A_475 : memref<1x16x2048xf32, #tpu.memory_space<hbm>> -> memref<16x2048xf32, #tpu.memory_space<hbm>>
    %dma_wait3A_477 = arith.constant 0 : i32
    %dma_wait3A_478 = arith.constant 0 : i32
    %dma_wait3A_479 = tpu.memref_slice %arg4[%dma_wait3A_462, %dma_wait3A_477, %dma_wait3A_478] : memref<3x16x2048xf32, #tpu.memory_space<vmem>> -> memref<1x16x2048xf32, #tpu.memory_space<vmem>>
    %dma_wait3A_480 = tpu.memref_squeeze %dma_wait3A_479 : memref<1x16x2048xf32, #tpu.memory_space<vmem>> -> memref<16x2048xf32, #tpu.memory_space<vmem>>
    tpu.wait_dma2 semaphore(%dma_wait3A_473 : memref<!tpu.dma_semaphore, #tpu.memory_space<semaphore_mem>>) src(%dma_wait3A_480 : memref<16x2048xf32, #tpu.memory_space<vmem>>) dst(%dma_wait3A_476 : memref<16x2048xf32, #tpu.memory_space<hbm>>)
    %add3A_481 = arith.constant 120 : i32
    %add3A_482 = arith.addi %mul3A_2, %add3A_481 : i32
    %dma_start3A_483 = arith.constant 2 : i32
    %dma_start3A_484 = arith.constant 2 : i32
    %dma_start3A_485 = arith.constant 0 : i32
    %dma_start3A_486 = arith.constant 0 : i32
    %dma_start3A_487 = tpu.memref_slice %arg4[%dma_start3A_483, %dma_start3A_485, %dma_start3A_486] : memref<3x16x2048xf32, #tpu.memory_space<vmem>> -> memref<1x8x2048xf32, #tpu.memory_space<vmem>>
    %dma_start3A_488 = tpu.memref_squeeze %dma_start3A_487 : memref<1x8x2048xf32, #tpu.memory_space<vmem>> -> memref<8x2048xf32, #tpu.memory_space<vmem>>
    %dma_start3A_489 = arith.constant 0 : i32
    %dma_start3A_490 = tpu.memref_slice %arg2[%add3A_482, %dma_start3A_489] : memref<8192x2048xf32, #tpu.memory_space<hbm>> -> memref<8x2048xf32, #tpu.memory_space<hbm>>
    %dma_start3A_491 = tpu.memref_slice %arg5[%dma_start3A_484] : memref<3x!tpu.dma_semaphore, #tpu.memory_space<semaphore_mem>> -> memref<1x!tpu.dma_semaphore, #tpu.memory_space<semaphore_mem>>
    %dma_start3A_492 = tpu.memref_squeeze %dma_start3A_491 : memref<1x!tpu.dma_semaphore, #tpu.memory_space<semaphore_mem>> -> memref<!tpu.dma_semaphore, #tpu.memory_space<semaphore_mem>>
    %dma_start3A_493 = arith.constant 0 : i32
    %dma_start3A_494 = arith.constant 0 : i32
    %dma_start3A_495 = tpu.memref_slice %arg4[%dma_start3A_483, %dma_start3A_493, %dma_start3A_494] : memref<3x16x2048xf32, #tpu.memory_space<vmem>> -> memref<1x8x2048xf32, #tpu.memory_space<vmem>>
    %dma_start3A_496 = tpu.memref_squeeze %dma_start3A_495 : memref<1x8x2048xf32, #tpu.memory_space<vmem>> -> memref<8x2048xf32, #tpu.memory_space<vmem>>
    %dma_start3A_497 = arith.constant 0 : i32
    %dma_start3A_498 = tpu.memref_slice %arg2[%add3A_482, %dma_start3A_497] : memref<8192x2048xf32, #tpu.memory_space<hbm>> -> memref<8x2048xf32, #tpu.memory_space<hbm>>
    tpu.enqueue_dma source(%dma_start3A_498 : memref<8x2048xf32, #tpu.memory_space<hbm>>) target(%dma_start3A_496 : memref<8x2048xf32, #tpu.memory_space<vmem>>) target_semaphore(%dma_start3A_492 : memref<!tpu.dma_semaphore, #tpu.memory_space<semaphore_mem>>)
    %dma_wait3A_499 = arith.constant 0 : i32
    %dma_wait3A_500 = arith.constant 0 : i32
    %dma_wait3A_501 = arith.constant 0 : i32
    %dma_wait3A_502 = arith.constant 0 : i32
    %dma_wait3A_503 = tpu.memref_slice %arg4[%dma_wait3A_499, %dma_wait3A_501, %dma_wait3A_502] : memref<3x16x2048xf32, #tpu.memory_space<vmem>> -> memref<1x16x2048xf32, #tpu.memory_space<vmem>>
    %dma_wait3A_504 = tpu.memref_squeeze %dma_wait3A_503 : memref<1x16x2048xf32, #tpu.memory_space<vmem>> -> memref<16x2048xf32, #tpu.memory_space<vmem>>
    %dma_wait3A_505 = arith.constant 0 : i32
    %dma_wait3A_506 = tpu.memref_slice %arg2[%add3A_334, %dma_wait3A_505] : memref<8192x2048xf32, #tpu.memory_space<hbm>> -> memref<16x2048xf32, #tpu.memory_space<hbm>>
    %dma_wait3A_507 = tpu.memref_slice %arg5[%dma_wait3A_500] : memref<3x!tpu.dma_semaphore, #tpu.memory_space<semaphore_mem>> -> memref<1x!tpu.dma_semaphore, #tpu.memory_space<semaphore_mem>>
    %dma_wait3A_508 = tpu.memref_squeeze %dma_wait3A_507 : memref<1x!tpu.dma_semaphore, #tpu.memory_space<semaphore_mem>> -> memref<!tpu.dma_semaphore, #tpu.memory_space<semaphore_mem>>
    %dma_wait3A_509 = arith.constant 0 : i32
    %dma_wait3A_510 = arith.constant 0 : i32
    %dma_wait3A_511 = tpu.memref_slice %arg4[%dma_wait3A_499, %dma_wait3A_509, %dma_wait3A_510] : memref<3x16x2048xf32, #tpu.memory_space<vmem>> -> memref<1x16x2048xf32, #tpu.memory_space<vmem>>
    %dma_wait3A_512 = tpu.memref_squeeze %dma_wait3A_511 : memref<1x16x2048xf32, #tpu.memory_space<vmem>> -> memref<16x2048xf32, #tpu.memory_space<vmem>>
    %dma_wait3A_513 = arith.constant 0 : i32
    %dma_wait3A_514 = tpu.memref_slice %arg2[%add3A_334, %dma_wait3A_513] : memref<8192x2048xf32, #tpu.memory_space<hbm>> -> memref<16x2048xf32, #tpu.memory_space<hbm>>
    tpu.wait_dma2 semaphore(%dma_wait3A_508 : memref<!tpu.dma_semaphore, #tpu.memory_space<semaphore_mem>>) src(%dma_wait3A_514 : memref<16x2048xf32, #tpu.memory_space<hbm>>) dst(%dma_wait3A_512 : memref<16x2048xf32, #tpu.memory_space<vmem>>)
    %add3A_515 = arith.constant 88 : i32
    %add3A_516 = arith.addi %mul3A_2, %add3A_515 : i32
    %dma_start3A_517 = arith.constant 0 : i32
    %dma_start3A_518 = arith.constant 0 : i32
    %dma_start3A_519 = arith.constant 0 : i32
    %dma_start3A_520 = arith.constant 0 : i32
    %dma_start3A_521 = arith.constant 0 : i32
    %dma_start3A_522 = tpu.memref_slice %arg4[%dma_start3A_517, %dma_start3A_520, %dma_start3A_521] : memref<3x16x2048xf32, #tpu.memory_space<vmem>> -> memref<1x16x2048xf32, #tpu.memory_space<vmem>>
    %dma_start3A_523 = tpu.memref_squeeze %dma_start3A_522 : memref<1x16x2048xf32, #tpu.memory_space<vmem>> -> memref<16x2048xf32, #tpu.memory_space<vmem>>
    %dma_start3A_524 = arith.constant 0 : i32
    %dma_start3A_525 = tpu.memref_slice %arg3[%dma_start3A_518, %add3A_516, %dma_start3A_524] : memref<1x4096x2048xf32, #tpu.memory_space<hbm>> -> memref<1x16x2048xf32, #tpu.memory_space<hbm>>
    %dma_start3A_526 = tpu.memref_squeeze %dma_start3A_525 : memref<1x16x2048xf32, #tpu.memory_space<hbm>> -> memref<16x2048xf32, #tpu.memory_space<hbm>>
    %dma_start3A_527 = tpu.memref_slice %arg6[%dma_start3A_519] : memref<3x!tpu.dma_semaphore, #tpu.memory_space<semaphore_mem>> -> memref<1x!tpu.dma_semaphore, #tpu.memory_space<semaphore_mem>>
    %dma_start3A_528 = tpu.memref_squeeze %dma_start3A_527 : memref<1x!tpu.dma_semaphore, #tpu.memory_space<semaphore_mem>> -> memref<!tpu.dma_semaphore, #tpu.memory_space<semaphore_mem>>
    %dma_start3A_529 = arith.constant 0 : i32
    %dma_start3A_530 = tpu.memref_slice %arg3[%dma_start3A_518, %add3A_516, %dma_start3A_529] : memref<1x4096x2048xf32, #tpu.memory_space<hbm>> -> memref<1x16x2048xf32, #tpu.memory_space<hbm>>
    %dma_start3A_531 = tpu.memref_squeeze %dma_start3A_530 : memref<1x16x2048xf32, #tpu.memory_space<hbm>> -> memref<16x2048xf32, #tpu.memory_space<hbm>>
    %dma_start3A_532 = arith.constant 0 : i32
    %dma_start3A_533 = arith.constant 0 : i32
    %dma_start3A_534 = tpu.memref_slice %arg4[%dma_start3A_517, %dma_start3A_532, %dma_start3A_533] : memref<3x16x2048xf32, #tpu.memory_space<vmem>> -> memref<1x16x2048xf32, #tpu.memory_space<vmem>>
    %dma_start3A_535 = tpu.memref_squeeze %dma_start3A_534 : memref<1x16x2048xf32, #tpu.memory_space<vmem>> -> memref<16x2048xf32, #tpu.memory_space<vmem>>
    tpu.enqueue_dma source(%dma_start3A_535 : memref<16x2048xf32, #tpu.memory_space<vmem>>) target(%dma_start3A_531 : memref<16x2048xf32, #tpu.memory_space<hbm>>) target_semaphore(%dma_start3A_528 : memref<!tpu.dma_semaphore, #tpu.memory_space<semaphore_mem>>)
    %dma_wait3A_536 = arith.constant 1 : i32
    %dma_wait3A_537 = arith.constant 1 : i32
    %dma_wait3A_538 = arith.constant 0 : i32
    %dma_wait3A_539 = arith.constant 0 : i32
    %dma_wait3A_540 = tpu.memref_slice %arg4[%dma_wait3A_536, %dma_wait3A_538, %dma_wait3A_539] : memref<3x16x2048xf32, #tpu.memory_space<vmem>> -> memref<1x16x2048xf32, #tpu.memory_space<vmem>>
    %dma_wait3A_541 = tpu.memref_squeeze %dma_wait3A_540 : memref<1x16x2048xf32, #tpu.memory_space<vmem>> -> memref<16x2048xf32, #tpu.memory_space<vmem>>
    %dma_wait3A_542 = arith.constant 0 : i32
    %dma_wait3A_543 = tpu.memref_slice %arg2[%add3A_408, %dma_wait3A_542] : memref<8192x2048xf32, #tpu.memory_space<hbm>> -> memref<16x2048xf32, #tpu.memory_space<hbm>>
    %dma_wait3A_544 = tpu.memref_slice %arg5[%dma_wait3A_537] : memref<3x!tpu.dma_semaphore, #tpu.memory_space<semaphore_mem>> -> memref<1x!tpu.dma_semaphore, #tpu.memory_space<semaphore_mem>>
    %dma_wait3A_545 = tpu.memref_squeeze %dma_wait3A_544 : memref<1x!tpu.dma_semaphore, #tpu.memory_space<semaphore_mem>> -> memref<!tpu.dma_semaphore, #tpu.memory_space<semaphore_mem>>
    %dma_wait3A_546 = arith.constant 0 : i32
    %dma_wait3A_547 = arith.constant 0 : i32
    %dma_wait3A_548 = tpu.memref_slice %arg4[%dma_wait3A_536, %dma_wait3A_546, %dma_wait3A_547] : memref<3x16x2048xf32, #tpu.memory_space<vmem>> -> memref<1x16x2048xf32, #tpu.memory_space<vmem>>
    %dma_wait3A_549 = tpu.memref_squeeze %dma_wait3A_548 : memref<1x16x2048xf32, #tpu.memory_space<vmem>> -> memref<16x2048xf32, #tpu.memory_space<vmem>>
    %dma_wait3A_550 = arith.constant 0 : i32
    %dma_wait3A_551 = tpu.memref_slice %arg2[%add3A_408, %dma_wait3A_550] : memref<8192x2048xf32, #tpu.memory_space<hbm>> -> memref<16x2048xf32, #tpu.memory_space<hbm>>
    tpu.wait_dma2 semaphore(%dma_wait3A_545 : memref<!tpu.dma_semaphore, #tpu.memory_space<semaphore_mem>>) src(%dma_wait3A_551 : memref<16x2048xf32, #tpu.memory_space<hbm>>) dst(%dma_wait3A_549 : memref<16x2048xf32, #tpu.memory_space<vmem>>)
    %add3A_552 = arith.constant 104 : i32
    %add3A_553 = arith.addi %mul3A_2, %add3A_552 : i32
    %dma_start3A_554 = arith.constant 1 : i32
    %dma_start3A_555 = arith.constant 0 : i32
    %dma_start3A_556 = arith.constant 1 : i32
    %dma_start3A_557 = arith.constant 0 : i32
    %dma_start3A_558 = arith.constant 0 : i32
    %dma_start3A_559 = tpu.memref_slice %arg4[%dma_start3A_554, %dma_start3A_557, %dma_start3A_558] : memref<3x16x2048xf32, #tpu.memory_space<vmem>> -> memref<1x16x2048xf32, #tpu.memory_space<vmem>>
    %dma_start3A_560 = tpu.memref_squeeze %dma_start3A_559 : memref<1x16x2048xf32, #tpu.memory_space<vmem>> -> memref<16x2048xf32, #tpu.memory_space<vmem>>
    %dma_start3A_561 = arith.constant 0 : i32
    %dma_start3A_562 = tpu.memref_slice %arg3[%dma_start3A_555, %add3A_553, %dma_start3A_561] : memref<1x4096x2048xf32, #tpu.memory_space<hbm>> -> memref<1x16x2048xf32, #tpu.memory_space<hbm>>
    %dma_start3A_563 = tpu.memref_squeeze %dma_start3A_562 : memref<1x16x2048xf32, #tpu.memory_space<hbm>> -> memref<16x2048xf32, #tpu.memory_space<hbm>>
    %dma_start3A_564 = tpu.memref_slice %arg6[%dma_start3A_556] : memref<3x!tpu.dma_semaphore, #tpu.memory_space<semaphore_mem>> -> memref<1x!tpu.dma_semaphore, #tpu.memory_space<semaphore_mem>>
    %dma_start3A_565 = tpu.memref_squeeze %dma_start3A_564 : memref<1x!tpu.dma_semaphore, #tpu.memory_space<semaphore_mem>> -> memref<!tpu.dma_semaphore, #tpu.memory_space<semaphore_mem>>
    %dma_start3A_566 = arith.constant 0 : i32
    %dma_start3A_567 = tpu.memref_slice %arg3[%dma_start3A_555, %add3A_553, %dma_start3A_566] : memref<1x4096x2048xf32, #tpu.memory_space<hbm>> -> memref<1x16x2048xf32, #tpu.memory_space<hbm>>
    %dma_start3A_568 = tpu.memref_squeeze %dma_start3A_567 : memref<1x16x2048xf32, #tpu.memory_space<hbm>> -> memref<16x2048xf32, #tpu.memory_space<hbm>>
    %dma_start3A_569 = arith.constant 0 : i32
    %dma_start3A_570 = arith.constant 0 : i32
    %dma_start3A_571 = tpu.memref_slice %arg4[%dma_start3A_554, %dma_start3A_569, %dma_start3A_570] : memref<3x16x2048xf32, #tpu.memory_space<vmem>> -> memref<1x16x2048xf32, #tpu.memory_space<vmem>>
    %dma_start3A_572 = tpu.memref_squeeze %dma_start3A_571 : memref<1x16x2048xf32, #tpu.memory_space<vmem>> -> memref<16x2048xf32, #tpu.memory_space<vmem>>
    tpu.enqueue_dma source(%dma_start3A_572 : memref<16x2048xf32, #tpu.memory_space<vmem>>) target(%dma_start3A_568 : memref<16x2048xf32, #tpu.memory_space<hbm>>) target_semaphore(%dma_start3A_565 : memref<!tpu.dma_semaphore, #tpu.memory_space<semaphore_mem>>)
    %dma_wait3A_573 = arith.constant 2 : i32
    %dma_wait3A_574 = arith.constant 2 : i32
    %dma_wait3A_575 = arith.constant 0 : i32
    %dma_wait3A_576 = arith.constant 0 : i32
    %dma_wait3A_577 = tpu.memref_slice %arg4[%dma_wait3A_573, %dma_wait3A_575, %dma_wait3A_576] : memref<3x16x2048xf32, #tpu.memory_space<vmem>> -> memref<1x8x2048xf32, #tpu.memory_space<vmem>>
    %dma_wait3A_578 = tpu.memref_squeeze %dma_wait3A_577 : memref<1x8x2048xf32, #tpu.memory_space<vmem>> -> memref<8x2048xf32, #tpu.memory_space<vmem>>
    %dma_wait3A_579 = arith.constant 0 : i32
    %dma_wait3A_580 = tpu.memref_slice %arg2[%add3A_482, %dma_wait3A_579] : memref<8192x2048xf32, #tpu.memory_space<hbm>> -> memref<8x2048xf32, #tpu.memory_space<hbm>>
    %dma_wait3A_581 = tpu.memref_slice %arg5[%dma_wait3A_574] : memref<3x!tpu.dma_semaphore, #tpu.memory_space<semaphore_mem>> -> memref<1x!tpu.dma_semaphore, #tpu.memory_space<semaphore_mem>>
    %dma_wait3A_582 = tpu.memref_squeeze %dma_wait3A_581 : memref<1x!tpu.dma_semaphore, #tpu.memory_space<semaphore_mem>> -> memref<!tpu.dma_semaphore, #tpu.memory_space<semaphore_mem>>
    %dma_wait3A_583 = arith.constant 0 : i32
    %dma_wait3A_584 = arith.constant 0 : i32
    %dma_wait3A_585 = tpu.memref_slice %arg4[%dma_wait3A_573, %dma_wait3A_583, %dma_wait3A_584] : memref<3x16x2048xf32, #tpu.memory_space<vmem>> -> memref<1x8x2048xf32, #tpu.memory_space<vmem>>
    %dma_wait3A_586 = tpu.memref_squeeze %dma_wait3A_585 : memref<1x8x2048xf32, #tpu.memory_space<vmem>> -> memref<8x2048xf32, #tpu.memory_space<vmem>>
    %dma_wait3A_587 = arith.constant 0 : i32
    %dma_wait3A_588 = tpu.memref_slice %arg2[%add3A_482, %dma_wait3A_587] : memref<8192x2048xf32, #tpu.memory_space<hbm>> -> memref<8x2048xf32, #tpu.memory_space<hbm>>
    tpu.wait_dma2 semaphore(%dma_wait3A_582 : memref<!tpu.dma_semaphore, #tpu.memory_space<semaphore_mem>>) src(%dma_wait3A_588 : memref<8x2048xf32, #tpu.memory_space<hbm>>) dst(%dma_wait3A_586 : memref<8x2048xf32, #tpu.memory_space<vmem>>)
    %add3A_589 = arith.constant 120 : i32
    %add3A_590 = arith.addi %mul3A_2, %add3A_589 : i32
    %dma_start3A_591 = arith.constant 2 : i32
    %dma_start3A_592 = arith.constant 0 : i32
    %dma_start3A_593 = arith.constant 2 : i32
    %dma_start3A_594 = arith.constant 0 : i32
    %dma_start3A_595 = arith.constant 0 : i32
    %dma_start3A_596 = tpu.memref_slice %arg4[%dma_start3A_591, %dma_start3A_594, %dma_start3A_595] : memref<3x16x2048xf32, #tpu.memory_space<vmem>> -> memref<1x8x2048xf32, #tpu.memory_space<vmem>>
    %dma_start3A_597 = tpu.memref_squeeze %dma_start3A_596 : memref<1x8x2048xf32, #tpu.memory_space<vmem>> -> memref<8x2048xf32, #tpu.memory_space<vmem>>
    %dma_start3A_598 = arith.constant 0 : i32
    %dma_start3A_599 = tpu.memref_slice %arg3[%dma_start3A_592, %add3A_590, %dma_start3A_598] : memref<1x4096x2048xf32, #tpu.memory_space<hbm>> -> memref<1x8x2048xf32, #tpu.memory_space<hbm>>
    %dma_start3A_600 = tpu.memref_squeeze %dma_start3A_599 : memref<1x8x2048xf32, #tpu.memory_space<hbm>> -> memref<8x2048xf32, #tpu.memory_space<hbm>>
    %dma_start3A_601 = tpu.memref_slice %arg6[%dma_start3A_593] : memref<3x!tpu.dma_semaphore, #tpu.memory_space<semaphore_mem>> -> memref<1x!tpu.dma_semaphore, #tpu.memory_space<semaphore_mem>>
    %dma_start3A_602 = tpu.memref_squeeze %dma_start3A_601 : memref<1x!tpu.dma_semaphore, #tpu.memory_space<semaphore_mem>> -> memref<!tpu.dma_semaphore, #tpu.memory_space<semaphore_mem>>
    %dma_start3A_603 = arith.constant 0 : i32
    %dma_start3A_604 = tpu.memref_slice %arg3[%dma_start3A_592, %add3A_590, %dma_start3A_603] : memref<1x4096x2048xf32, #tpu.memory_space<hbm>> -> memref<1x8x2048xf32, #tpu.memory_space<hbm>>
    %dma_start3A_605 = tpu.memref_squeeze %dma_start3A_604 : memref<1x8x2048xf32, #tpu.memory_space<hbm>> -> memref<8x2048xf32, #tpu.memory_space<hbm>>
    %dma_start3A_606 = arith.constant 0 : i32
    %dma_start3A_607 = arith.constant 0 : i32
    %dma_start3A_608 = tpu.memref_slice %arg4[%dma_start3A_591, %dma_start3A_606, %dma_start3A_607] : memref<3x16x2048xf32, #tpu.memory_space<vmem>> -> memref<1x8x2048xf32, #tpu.memory_space<vmem>>
    %dma_start3A_609 = tpu.memref_squeeze %dma_start3A_608 : memref<1x8x2048xf32, #tpu.memory_space<vmem>> -> memref<8x2048xf32, #tpu.memory_space<vmem>>
    tpu.enqueue_dma source(%dma_start3A_609 : memref<8x2048xf32, #tpu.memory_space<vmem>>) target(%dma_start3A_605 : memref<8x2048xf32, #tpu.memory_space<hbm>>) target_semaphore(%dma_start3A_602 : memref<!tpu.dma_semaphore, #tpu.memory_space<semaphore_mem>>)
    %dma_wait3A_610 = arith.constant 0 : i32
    %dma_wait3A_611 = arith.constant 0 : i32
    %dma_wait3A_612 = arith.constant 0 : i32
    %dma_wait3A_613 = arith.constant 0 : i32
    %dma_wait3A_614 = arith.constant 0 : i32
    %dma_wait3A_615 = tpu.memref_slice %arg4[%dma_wait3A_610, %dma_wait3A_613, %dma_wait3A_614] : memref<3x16x2048xf32, #tpu.memory_space<vmem>> -> memref<1x16x2048xf32, #tpu.memory_space<vmem>>
    %dma_wait3A_616 = tpu.memref_squeeze %dma_wait3A_615 : memref<1x16x2048xf32, #tpu.memory_space<vmem>> -> memref<16x2048xf32, #tpu.memory_space<vmem>>
    %dma_wait3A_617 = arith.constant 0 : i32
    %dma_wait3A_618 = tpu.memref_slice %arg3[%dma_wait3A_611, %add3A_516, %dma_wait3A_617] : memref<1x4096x2048xf32, #tpu.memory_space<hbm>> -> memref<1x16x2048xf32, #tpu.memory_space<hbm>>
    %dma_wait3A_619 = tpu.memref_squeeze %dma_wait3A_618 : memref<1x16x2048xf32, #tpu.memory_space<hbm>> -> memref<16x2048xf32, #tpu.memory_space<hbm>>
    %dma_wait3A_620 = tpu.memref_slice %arg6[%dma_wait3A_612] : memref<3x!tpu.dma_semaphore, #tpu.memory_space<semaphore_mem>> -> memref<1x!tpu.dma_semaphore, #tpu.memory_space<semaphore_mem>>
    %dma_wait3A_621 = tpu.memref_squeeze %dma_wait3A_620 : memref<1x!tpu.dma_semaphore, #tpu.memory_space<semaphore_mem>> -> memref<!tpu.dma_semaphore, #tpu.memory_space<semaphore_mem>>
    %dma_wait3A_622 = arith.constant 0 : i32
    %dma_wait3A_623 = tpu.memref_slice %arg3[%dma_wait3A_611, %add3A_516, %dma_wait3A_622] : memref<1x4096x2048xf32, #tpu.memory_space<hbm>> -> memref<1x16x2048xf32, #tpu.memory_space<hbm>>
    %dma_wait3A_624 = tpu.memref_squeeze %dma_wait3A_623 : memref<1x16x2048xf32, #tpu.memory_space<hbm>> -> memref<16x2048xf32, #tpu.memory_space<hbm>>
    %dma_wait3A_625 = arith.constant 0 : i32
    %dma_wait3A_626 = arith.constant 0 : i32
    %dma_wait3A_627 = tpu.memref_slice %arg4[%dma_wait3A_610, %dma_wait3A_625, %dma_wait3A_626] : memref<3x16x2048xf32, #tpu.memory_space<vmem>> -> memref<1x16x2048xf32, #tpu.memory_space<vmem>>
    %dma_wait3A_628 = tpu.memref_squeeze %dma_wait3A_627 : memref<1x16x2048xf32, #tpu.memory_space<vmem>> -> memref<16x2048xf32, #tpu.memory_space<vmem>>
    tpu.wait_dma2 semaphore(%dma_wait3A_621 : memref<!tpu.dma_semaphore, #tpu.memory_space<semaphore_mem>>) src(%dma_wait3A_628 : memref<16x2048xf32, #tpu.memory_space<vmem>>) dst(%dma_wait3A_624 : memref<16x2048xf32, #tpu.memory_space<hbm>>)
    %dma_wait3A_629 = arith.constant 1 : i32
    %dma_wait3A_630 = arith.constant 0 : i32
    %dma_wait3A_631 = arith.constant 1 : i32
    %dma_wait3A_632 = arith.constant 0 : i32
    %dma_wait3A_633 = arith.constant 0 : i32
    %dma_wait3A_634 = tpu.memref_slice %arg4[%dma_wait3A_629, %dma_wait3A_632, %dma_wait3A_633] : memref<3x16x2048xf32, #tpu.memory_space<vmem>> -> memref<1x16x2048xf32, #tpu.memory_space<vmem>>
    %dma_wait3A_635 = tpu.memref_squeeze %dma_wait3A_634 : memref<1x16x2048xf32, #tpu.memory_space<vmem>> -> memref<16x2048xf32, #tpu.memory_space<vmem>>
    %dma_wait3A_636 = arith.constant 0 : i32
    %dma_wait3A_637 = tpu.memref_slice %arg3[%dma_wait3A_630, %add3A_553, %dma_wait3A_636] : memref<1x4096x2048xf32, #tpu.memory_space<hbm>> -> memref<1x16x2048xf32, #tpu.memory_space<hbm>>
    %dma_wait3A_638 = tpu.memref_squeeze %dma_wait3A_637 : memref<1x16x2048xf32, #tpu.memory_space<hbm>> -> memref<16x2048xf32, #tpu.memory_space<hbm>>
    %dma_wait3A_639 = tpu.memref_slice %arg6[%dma_wait3A_631] : memref<3x!tpu.dma_semaphore, #tpu.memory_space<semaphore_mem>> -> memref<1x!tpu.dma_semaphore, #tpu.memory_space<semaphore_mem>>
    %dma_wait3A_640 = tpu.memref_squeeze %dma_wait3A_639 : memref<1x!tpu.dma_semaphore, #tpu.memory_space<semaphore_mem>> -> memref<!tpu.dma_semaphore, #tpu.memory_space<semaphore_mem>>
    %dma_wait3A_641 = arith.constant 0 : i32
    %dma_wait3A_642 = tpu.memref_slice %arg3[%dma_wait3A_630, %add3A_553, %dma_wait3A_641] : memref<1x4096x2048xf32, #tpu.memory_space<hbm>> -> memref<1x16x2048xf32, #tpu.memory_space<hbm>>
    %dma_wait3A_643 = tpu.memref_squeeze %dma_wait3A_642 : memref<1x16x2048xf32, #tpu.memory_space<hbm>> -> memref<16x2048xf32, #tpu.memory_space<hbm>>
    %dma_wait3A_644 = arith.constant 0 : i32
    %dma_wait3A_645 = arith.constant 0 : i32
    %dma_wait3A_646 = tpu.memref_slice %arg4[%dma_wait3A_629, %dma_wait3A_644, %dma_wait3A_645] : memref<3x16x2048xf32, #tpu.memory_space<vmem>> -> memref<1x16x2048xf32, #tpu.memory_space<vmem>>
    %dma_wait3A_647 = tpu.memref_squeeze %dma_wait3A_646 : memref<1x16x2048xf32, #tpu.memory_space<vmem>> -> memref<16x2048xf32, #tpu.memory_space<vmem>>
    tpu.wait_dma2 semaphore(%dma_wait3A_640 : memref<!tpu.dma_semaphore, #tpu.memory_space<semaphore_mem>>) src(%dma_wait3A_647 : memref<16x2048xf32, #tpu.memory_space<vmem>>) dst(%dma_wait3A_643 : memref<16x2048xf32, #tpu.memory_space<hbm>>)
    %dma_wait3A_648 = arith.constant 2 : i32
    %dma_wait3A_649 = arith.constant 0 : i32
    %dma_wait3A_650 = arith.constant 2 : i32
    %dma_wait3A_651 = arith.constant 0 : i32
    %dma_wait3A_652 = arith.constant 0 : i32
    %dma_wait3A_653 = tpu.memref_slice %arg4[%dma_wait3A_648, %dma_wait3A_651, %dma_wait3A_652] : memref<3x16x2048xf32, #tpu.memory_space<vmem>> -> memref<1x8x2048xf32, #tpu.memory_space<vmem>>
    %dma_wait3A_654 = tpu.memref_squeeze %dma_wait3A_653 : memref<1x8x2048xf32, #tpu.memory_space<vmem>> -> memref<8x2048xf32, #tpu.memory_space<vmem>>
    %dma_wait3A_655 = arith.constant 0 : i32
    %dma_wait3A_656 = tpu.memref_slice %arg3[%dma_wait3A_649, %add3A_590, %dma_wait3A_655] : memref<1x4096x2048xf32, #tpu.memory_space<hbm>> -> memref<1x8x2048xf32, #tpu.memory_space<hbm>>
    %dma_wait3A_657 = tpu.memref_squeeze %dma_wait3A_656 : memref<1x8x2048xf32, #tpu.memory_space<hbm>> -> memref<8x2048xf32, #tpu.memory_space<hbm>>
    %dma_wait3A_658 = tpu.memref_slice %arg6[%dma_wait3A_650] : memref<3x!tpu.dma_semaphore, #tpu.memory_space<semaphore_mem>> -> memref<1x!tpu.dma_semaphore, #tpu.memory_space<semaphore_mem>>
    %dma_wait3A_659 = tpu.memref_squeeze %dma_wait3A_658 : memref<1x!tpu.dma_semaphore, #tpu.memory_space<semaphore_mem>> -> memref<!tpu.dma_semaphore, #tpu.memory_space<semaphore_mem>>
    %dma_wait3A_660 = arith.constant 0 : i32
    %dma_wait3A_661 = tpu.memref_slice %arg3[%dma_wait3A_649, %add3A_590, %dma_wait3A_660] : memref<1x4096x2048xf32, #tpu.memory_space<hbm>> -> memref<1x8x2048xf32, #tpu.memory_space<hbm>>
    %dma_wait3A_662 = tpu.memref_squeeze %dma_wait3A_661 : memref<1x8x2048xf32, #tpu.memory_space<hbm>> -> memref<8x2048xf32, #tpu.memory_space<hbm>>
    %dma_wait3A_663 = arith.constant 0 : i32
    %dma_wait3A_664 = arith.constant 0 : i32
    %dma_wait3A_665 = tpu.memref_slice %arg4[%dma_wait3A_648, %dma_wait3A_663, %dma_wait3A_664] : memref<3x16x2048xf32, #tpu.memory_space<vmem>> -> memref<1x8x2048xf32, #tpu.memory_space<vmem>>
    %dma_wait3A_666 = tpu.memref_squeeze %dma_wait3A_665 : memref<1x8x2048xf32, #tpu.memory_space<vmem>> -> memref<8x2048xf32, #tpu.memory_space<vmem>>
    tpu.wait_dma2 semaphore(%dma_wait3A_659 : memref<!tpu.dma_semaphore, #tpu.memory_space<semaphore_mem>>) src(%dma_wait3A_666 : memref<8x2048xf32, #tpu.memory_space<vmem>>) dst(%dma_wait3A_662 : memref<8x2048xf32, #tpu.memory_space<hbm>>)
    return
  }
}

</mosaic_0001>

<sc_bundles>
// kernel: kernel.3.cloned.1.call-start
scs
__scs_entry_jumppad:
0x0: {  	(pc) =	sbr.rel $0x88, $3  }
0x1: {  	(tag) =	ssettag $0x0;
	lr =	simm.s32 $0x1  }
0x2: {  	[smem:$0x3FA0] =	sst lr;
	_ =	strace $0xD0000000  }
0x3: {  	_ = 	snop  }
0x4: {  	_ = 	snop  }
0x5: {  	_ = 	snop  }
0x6: {  	_ = 	snop  }
0x7: {  	_ = 	snop  }
__scs_overlays_trampoline_lowered:
0x8: {  	[smem:$0x3FAF] =	sst s0  }
0x9: {  	[smem:$0x3FB0] =	sst s1  }
0xa: {  	[smem:$0x3FB1] =	sst s2  }
0xb: {  	[smem:$0x3FB2] =	sst s3  }
0xc: {  	[smem:$0x3FB3] =	sst s4  }
0xd: {  	[smem:$0x3FB4] =	sst s5  }
0xe: {  	[smem:$0x3FB5] =	sst s6  }
0xf: {  	[smem:$0x3FB6] =	sst s7  }
0x10: {  	[smem:$0x3FB7] =	sst s8  }
0x11: {  	[smem:$0x3FB8] =	sst s9;
	s0 =	simm.s32 @!p0 $0x0  }
0x12: {  	s1 =	sld [smem:$0x3F9E];
	s0 =	simm.s32 @p0 $0x1  }
0x13: {  	[smem:$0x3FB9] =	sst s0;
	s0 =	simm.s32 @!p1 $0x0  }
0x14: {  	s2 =	sld [smem:$0x3F9D];
	s0 =	simm.s32 @p1 $0x1  }
0x15: {  	[smem:$0x3FBA] =	sst s0;
	s0 =	simm.s32 @!p2 $0x0  }
0x16: {  	s3 =	sld [smem:$0x3FDB];
	s0 =	simm.s32 @p2 $0x1  }
0x17: {  	s4 =	simm.s32 $0x1BF5;
	[smem:$0x3FBC] =	sst s0  }
0x18: {  	s0 =	sld [smem:$0x3F9F];
	_ =	swait.ge [sflag:s4], $0x0  }
0x19: {  	s7 =	sld [smem:$0x3FA0]  }
0x1a: {  	s8 =	sadd.s32 $0xFFFFE003, lr  }
0x1b: {  	s9 =	sadd.s32 $0xFFFFFEF7, lr;
	s5 =	simm.s32 $0xFFFFFFFF;
	p2 =	slt.u32 s8, $0xFFFFF086  }
0x1c: {  	p1 =	slt.u32 s9, $0xF7A;
	s5 =	simm.s32 @!p2 $0x0  }
0x1d: {  	s5 =	simm.s32 @p1 $0x1;
	p0 =	seq.s32 s7, s2  }
0x1e: {  	s7 =	smul.u32 @!p0 $0xF7A, s2;
	p2 =	seq.s32 @!p0 s5, $0x0  }
0x1f: {  	s9 =	smul.u32 $0xF7A, s1;
	s8 =	simm.s32 @!p0 $0x1BF5;
	p2 =	por !p2, p0  }
0x20: {  	[sflag:s8] =	ssyncset.s32 @!p0 $0xFFFFF086;
	s6 =	sadd.s32 @!p0 s3, s7;
	s7 =	simm.s32 @!p0 $0x108  }
0x21: {  	s3 =	sadd.s32 s3, s9;
	s6 =	sadd.s32 @!p0 $0x88, s6;
	s7 =	simm.s32 @p2 $0x1082  }
0x22: {  	[simem:s7], [sflag:s8] =	dma.local @!p0 [hbm:s6], $0xF7A  }
0x23: {  	s9 =	sor.u32 $0xD0000000, s2;
	s6 =	simm.s32 $0x108;
	_ =	swait.ge @!p0 [sflag:s8], $0x0  }
0x24: {  	s3 =	sadd.s32 $0x88, s3;
	s6 =	simm.s32 @!p1 $0x1082;
	[sflag:s4] =	ssyncset.s32 $0xFFFFF086  }
0x25: {  	[simem:s6], [sflag:s4] =	dma.local [hbm:s3], $0xF7A  }
0x26: {  	[smem:$0x3FA0] =	sst s1;
	(tag) =	ssettag s2;
	_ =	strace s9  }
0x27: {  	s1 =	sld [smem:$0x3FB0]  }
0x28: {  	s2 =	sld [smem:$0x3FB1]  }
0x29: {  	s4 =	sld [smem:$0x3FB3]  }
0x2a: {  	p0 =	seq.s32 s5, $0x0;
	s5 =	sld [smem:$0x3FB4]  }
0x2b: {  	s6 =	sld [smem:$0x3FB5]  }
0x2c: {  	s7 =	sld [smem:$0x3FB6]  }
0x2d: {  	s3 =	simm.s32 $0x108;
	s8 =	sld [smem:$0x3FB7]  }
0x2e: {  	s3 =	simm.s32 @!p0 $0x1082;
	s9 =	sld [smem:$0x3FB8]  }
0x2f: {  	lr =	sadd.s32 s0, s3;
	s0 =	sld [smem:$0x3FAF]  }
0x30: {  	s3 =	sld [smem:$0x3FB2]  }
0x31: {  	[smem:$0x3FBB] =	sst s10  }
0x32: {  	s10 =	sld [smem:$0x3FB9];
	_ =	sdelay $0x3  }
0x33: {  	p0 =	seq.s32 s10, $0x1;
	s10 =	sld [smem:$0x3FBB];
	_ =	sdelay $0x3  }
0x34: {  	[smem:$0x3FBB] =	sst s10  }
0x35: {  	s10 =	sld [smem:$0x3FBA];
	_ =	sdelay $0x3  }
0x36: {  	p1 =	seq.s32 s10, $0x1;
	s10 =	sld [smem:$0x3FBB];
	_ =	sdelay $0x3  }
0x37: {  	[smem:$0x3FBB] =	sst s10  }
0x38: {  	s10 =	sld [smem:$0x3FBC]  }
0x39: {  	_ = 	snop;
	(pc) =	sbr.ind lr, $3  }
0x3a: {  	_ = 	snop  }
0x3b: {  	_ = 	snop  }
0x3c: {  	p2 =	seq.s32 s10, $0x1;
	s10 =	sld [smem:$0x3FBB]  }
0x3d: {  	_ =	shalt  }
0x3e: {  	_ =	shalt  }
0x3f: {  	_ =	shalt  }
0x40: {  	_ =	shalt  }
0x41: {  	_ =	shalt  }
0x42: {  	_ =	shalt  }
0x43: {  	_ =	shalt  }
0x44: {  	_ =	shalt  }
0x45: {  	_ =	shalt  }
0x46: {  	_ =	shalt  }
0x47: {  	_ =	shalt  }
0x48: {  	_ =	shalt  }
0x49: {  	_ =	shalt  }
0x4a: {  	_ =	shalt  }
0x4b: {  	_ =	shalt  }
0x4c: {  	_ =	shalt  }
0x4d: {  	_ =	shalt  }
0x4e: {  	_ =	shalt  }
0x4f: {  	_ =	shalt  }
0x50: {  	_ =	shalt  }
0x51: {  	_ =	shalt  }
0x52: {  	_ =	shalt  }
0x53: {  	_ =	shalt  }
0x54: {  	_ =	shalt  }
0x55: {  	_ =	shalt  }
0x56: {  	_ =	shalt  }
0x57: {  	_ =	shalt  }
0x58: {  	_ =	shalt  }
0x59: {  	_ =	shalt  }
0x5a: {  	_ =	shalt  }
0x5b: {  	_ =	shalt  }
0x5c: {  	_ =	shalt  }
0x5d: {  	_ =	shalt  }
0x5e: {  	_ =	shalt  }
0x5f: {  	_ =	shalt  }
0x60: {  	_ =	shalt  }
0x61: {  	_ =	shalt  }
0x62: {  	_ =	shalt  }
0x63: {  	_ =	shalt  }
0x64: {  	_ =	shalt  }
0x65: {  	_ =	shalt  }
0x66: {  	_ =	shalt  }
0x67: {  	_ =	shalt  }
0x68: {  	_ =	shalt  }
0x69: {  	_ =	shalt  }
0x6a: {  	_ =	shalt  }
0x6b: {  	_ =	shalt  }
0x6c: {  	_ =	shalt  }
0x6d: {  	_ =	shalt  }
0x6e: {  	_ =	shalt  }
0x6f: {  	_ =	shalt  }
0x70: {  	_ =	shalt  }
0x71: {  	_ =	shalt  }
0x72: {  	_ =	shalt  }
0x73: {  	_ =	shalt  }
0x74: {  	_ =	shalt  }
0x75: {  	_ =	shalt  }
0x76: {  	_ =	shalt  }
0x77: {  	_ =	shalt  }
0x78: {  	_ =	shalt  }
0x79: {  	_ =	shalt  }
0x7a: {  	_ =	shalt  }
0x7b: {  	_ =	shalt  }
0x7c: {  	_ =	shalt  }
0x7d: {  	_ =	shalt  }
0x7e: {  	_ =	shalt  }
0x7f: {  	_ =	shalt  }
0x80: {  	_ =	shalt  }
0x81: {  	_ =	shalt  }
0x82: {  	_ =	shalt  }
0x83: {  	_ =	shalt  }
0x84: {  	_ =	shalt  }
0x85: {  	_ =	shalt  }
0x86: {  	_ =	shalt  }
0x87: {  	_ =	shalt  }
.Lfunc_end0:
.L_simem_size_0:
called_computation_lowered:
.L_overlay_start_0:
0x88: {  	s2 =	sld [smem:$0x3FD9]  }
0x89: {  	s3 =	sld [smem:$0x3FFE];
	_ =	sdelay $0x1  }
0x8a: {  	s1 =	srdreg.scid  }
0x8b: {  	s0 =	sand.u32 $0x1, s1  }
0x8c: {  	s18 =	sshll.u32 s0, $0xA;
	s2 =	sadd.s32 s3, s2  }
0x8d: {  	s2 =	sadd.s32 s2, s18  }
0x8e: {  	[smem:$0x3FC7] =	sst s2  }
0x8f: {  	_ = 	snop  }
0x90: {  	s2 =	sld [smem:$0x3FC9]  }
0x91: {  	s19 =	sld [smem:$0x3FD0];
	(tm) =	ssettm $0x1  }
0x92: {  	s4 =	sld [smem:$0x3FFB];
	_ =	sdelay $0x3  }
0x93: {  	_ =	strace s4  }
0x94: {  	s4 =	sld [smem:$0x3FFC];
	_ =	sdelay $0x3  }
0x95: {  	_ =	strace s4  }
0x96: {  	s4 =	sld [smem:$0x3FFD];
	_ =	sdelay $0x3  }
0x97: {  	_ =	strace s4  }
0x98: {  	_ =	strace $0x8FFFFFFF  }
0x99: {  	s20 =	sld [smem:$0x3FDB];
	_ =	sdelay $0x1  }
0x9a: {  	s5 =	simm.s32 $_scs_section_size  }
0x9b: {  	s6 =	simm.s32 $_size__tile_overlayer_lowered;
	s7 =	simm.s32 $_tile_overlayer_lowered  }
0x9c: {  	s23 =	simm.s32 $0x1BFF;
	s22 =	sshll.u32 s7, $0x1;
	s4 =	sadd.s32 s5, s20  }
0x9d: {  	s8 =	simm.s32 $0x0;
	s21 =	sshll.u32 s6, $0x1;
	s6 =	sadd.s32 s22, s4  }
0x9e: {  	[timem:s8], [sflag:s23] =	dma.local [hbm:s6], s21  }
0x9f: {  	_ =	swait.ge [sflag:s23], s21  }
0xa0: {  	s5 =	ssub.s32 $0x0, s21;
	[sflag:s23] =	ssyncset.done $0x0  }
0xa1: {  	[sflag:s23] =	ssyncadd.s32 s5;
	_ =	sdelay $0x1  }
0xa2: {  	s24 =	simm.s32 $0x1B8B  }
0xa3: {  	_ =	swait.ge [sflag:s24], $0x1  }
0xa4: {  	[sflag:s24] =	ssyncset.done $0x0  }
0xa5: {  	s25 =	simm.s32 $0x1B8E;
	[sflag:s24] =	ssyncadd.s32 $0xFFFFFFFF  }
0xa6: {  	s26 =	simm.s32 $execute0_lowered;
	[smem:$0x3FD2] =	sst s25  }
0xa7: {  	s5 =	sshll.u32 s26, $0x1;
	_ =	strace $0x80000046;
	[dreg:$0x1] =	wrdreg $0xFFFFFFFF  }
0xa8: {  	s28 =	simm.s32 $_size_execute0_lowered;
	s4 =	sadd.s32 s4, s5;
	[dreg:$0x0] =	wrdreg $0x0  }
0xa9: {  	s5 =	sshll.u32 s28, $0x1;
	[dreg:$0x2] =	wrdreg s4  }
0xaa: {  	[dreg:$0x3] =	wrdreg s5  }
0xab: {  	[dreg:$0x4] =	wrdreg $0xC0  }
0xac: {  	_ =	task [dreg:s8], $0x5FFFF  }
0xad: {  	[dreg:$0x1] =	wrdreg $0xFFFFFFFF  }
0xae: {  	[dreg:$0x0] =	wrdreg $0x60  }
0xaf: {  	[dreg:$0x2] =	wrdreg s2  }
0xb0: {  	[dreg:$0x3] =	wrdreg s19  }
0xb1: {  	[dreg:$0x4] =	wrdreg $0x9  }
0xb2: {  	_ =	task.clear_ibuf [dreg:s8], $0x5FFFF;
	_ =	strace $0x90000046  }
0xb3: {  	s29 =	simm.s32 $0x9;
	_ =	strace $0x80000048  }
0xb4: {  	_ =	swait.ge [sflag:s29], $0x1  }
0xb5: {  	[sflag:s29] =	ssyncadd.s32 $0xFFFFFFFF  }
0xb6: {  	_ =	strace $0x90000048  }
0xb7: {  	_ =	sfence  }
0xb8: {  	s30 =	sld [smem:$0x0];
	_ =	sdelay $0x2  }
0xb9: {  	s31 =	sshll.u32 s1, $0xD;
	s1 =	sshrl.u32 s1, $0x2  }
0xba: {  	s3 =	sand.u32 $0x4000, s31;
	s1 =	sadd.s32 s1, s30  }
0xbb: {  	s0 =	sor.u32 s3, s0;
	s1 =	sshll.u32 s1, $0x11  }
0xbc: {  	s0 =	sor.u32 s1, s0  }
0xbd: {  	s0 =	sadd.s32 $0x8F2B, s0  }
0xbe: {  	[sflag:s0] =	ssyncadd.remote.s32 $0x1  }
0xbf: {  	_ =	sfence.sel $0xFFFF  }
0xc0: {  	[dreg:$0x0] =	wrdreg $0xFFFFFFFF;
	(pc) =	sbr.abs _section_cstart, $3  }
0xc1: {  	[dreg:$0x1] =	wrdreg $0xFFFFFFFF  }
0xc2: {  	_ =	task.clear_ibuf [dreg:s8], $0x2FFFF;
	_ =	strace $0x9FFFFFFF  }
0xc3: {  	(tm) =	ssettm $0x7FFFFFFF  }
tec
execute0_lowered:
.L_overlay_start_1:
0x0: {  	(tag) =	ssettag $0x1  }
0x1: {  	s25 =	rddreg [dreg:$0x0];
	s2 =	srdreg.scid  }
0x2: {  	s29 =	rddreg [dreg:$0x1];
	s1 =	stileid.u32;
	s30 =	sand.u32 $0x1, s2  }
0x3: {  	s2 =	simm.s32 $0x0;
	s3 =	sshll.u32 s1, $0x10;
	s4 =	sshll.u32 s30, $0xF  }
0x4: {  	[smem:$0x7FF] =	sst s2;
	s26 =	sor.u32 s4, s3  }
0x5: {  	_ =	strace $0x80000047;
	s3 =	sadd.s32 s25, s26;
	s13 =	sor.u32 $0x800, s26  }
0x6: {  	[tilespmem:s2], [sflag:$0x1] =	stream.linear.gather [hbm4b:s3+s2], $0x4000, $0x38;
	[tilespmem:$0x18000] =	vst v63  }
0x7: {  	s5 =	simm.s32 $0x8000;
	s17 =	sor.u32 $0x1800, s26;
	s4 =	sadd.s32 s25, s13  }
0x8: {  	[tilespmem:s5], [sflag:$0x2] =	stream.linear.gather [hbm4b:s4+s2], $0x8000, $0x38;
	[tilespmem:$0x18000] =	vst v63  }
0x9: {  	s7 =	simm.s32 $0x10000;
	s8 =	simm.s32 $0x1;
	s6 =	sadd.s32 s25, s17  }
0xa: {  	[tilespmem:s7], [sflag:$0x3] =	stream.linear.gather [hbm4b:s6+s2], $0x8000, $0x38;
	[tilespmem:$0x18000] =	vst v63  }
0xb: {  	_ =	swait.ge [sflag:s8], $0x4000  }
0xc: {  	[sflag:s8] =	ssyncset.done $0x0  }
0xd: {  	s10 =	simm.s32 $0x4;
	s9 =	sadd.s32 s29, s26;
	[sflag:s8] =	ssyncadd.s32 $0xFFFFC000  }
0xe: {  	[hbm4b:s9+s2] =	stream.linear.scatter [tilespmem:s2], [sflag:$0x4], $0x4000, $0x38;
	[tilespmem:$0x18000] =	vst v63  }
0xf: {  	_ =	swait.ge [sflag:s10], $0x4000  }
0x10: {  	s20 =	sor.u32 $0x2800, s26;
	[sflag:s10] =	ssyncset.done $0x0  }
0x11: {  	s12 =	simm.s32 $0x2;
	s11 =	sadd.s32 s25, s20;
	[sflag:s10] =	ssyncadd.s32 $0xFFFFC000  }
0x12: {  	[tilespmem:s2], [sflag:$0x1] =	stream.linear.gather [hbm4b:s11+s2], $0x8000, $0x38;
	[tilespmem:$0x18000] =	vst v63  }
0x13: {  	_ =	swait.ge [sflag:s12], $0x8000  }
0x14: {  	[sflag:s12] =	ssyncset.done $0x0  }
0x15: {  	s14 =	simm.s32 $0x5;
	s13 =	sadd.s32 s29, s13;
	[sflag:s12] =	ssyncadd.s32 $0xFFFF8000  }
0x16: {  	[hbm4b:s13+s2] =	stream.linear.scatter [tilespmem:s5], [sflag:$0x5], $0x8000, $0x38;
	[tilespmem:$0x18000] =	vst v63  }
0x17: {  	_ =	swait.ge [sflag:s14], $0x8000  }
0x18: {  	s22 =	sor.u32 $0x3800, s26;
	[sflag:s14] =	ssyncset.done $0x0  }
0x19: {  	s16 =	simm.s32 $0x3;
	s15 =	sadd.s32 s25, s22;
	[sflag:s14] =	ssyncadd.s32 $0xFFFF8000  }
0x1a: {  	[tilespmem:s5], [sflag:$0x2] =	stream.linear.gather [hbm4b:s15+s2], $0x8000, $0x38;
	[tilespmem:$0x18000] =	vst v63  }
0x1b: {  	_ =	swait.ge [sflag:s16], $0x8000  }
0x1c: {  	[sflag:s16] =	ssyncset.done $0x0  }
0x1d: {  	s18 =	sadd.s32 s29, s17;
	s17 =	simm.s32 $0x6;
	[sflag:s16] =	ssyncadd.s32 $0xFFFF8000  }
0x1e: {  	[hbm4b:s18+s2] =	stream.linear.scatter [tilespmem:s7], [sflag:$0x6], $0x8000, $0x38;
	[tilespmem:$0x18000] =	vst v63  }
0x1f: {  	_ =	swait.ge [sflag:s17], $0x8000  }
0x20: {  	s24 =	sor.u32 $0x4800, s26;
	[sflag:s17] =	ssyncset.done $0x0  }
0x21: {  	s19 =	sadd.s32 s25, s24;
	[sflag:s17] =	ssyncadd.s32 $0xFFFF8000  }
0x22: {  	[tilespmem:s7], [sflag:$0x3] =	stream.linear.gather [hbm4b:s19+s2], $0x8000, $0x38;
	[tilespmem:$0x18000] =	vst v63  }
0x23: {  	_ =	swait.ge [sflag:s8], $0x8000  }
0x24: {  	[sflag:s8] =	ssyncset.done $0x0  }
0x25: {  	s20 =	sadd.s32 s29, s20;
	[sflag:s8] =	ssyncadd.s32 $0xFFFF8000  }
0x26: {  	[hbm4b:s20+s2] =	stream.linear.scatter [tilespmem:s2], [sflag:$0x4], $0x8000, $0x38;
	[tilespmem:$0x18000] =	vst v63  }
0x27: {  	_ =	swait.ge [sflag:s10], $0x8000  }
0x28: {  	s28 =	sor.u32 $0x5800, s26;
	[sflag:s10] =	ssyncset.done $0x0  }
0x29: {  	s21 =	sadd.s32 s25, s28;
	[sflag:s10] =	ssyncadd.s32 $0xFFFF8000  }
0x2a: {  	[tilespmem:s2], [sflag:$0x1] =	stream.linear.gather [hbm4b:s21+s2], $0x8000, $0x38;
	[tilespmem:$0x18000] =	vst v63  }
0x2b: {  	_ =	swait.ge [sflag:s12], $0x8000  }
0x2c: {  	[sflag:s12] =	ssyncset.done $0x0  }
0x2d: {  	s22 =	sadd.s32 s29, s22;
	[sflag:s12] =	ssyncadd.s32 $0xFFFF8000  }
0x2e: {  	[hbm4b:s22+s2] =	stream.linear.scatter [tilespmem:s5], [sflag:$0x5], $0x8000, $0x38;
	[tilespmem:$0x18000] =	vst v63  }
0x2f: {  	_ =	swait.ge [sflag:s14], $0x8000  }
0x30: {  	s31 =	sor.u32 $0x6800, s26;
	[sflag:s14] =	ssyncset.done $0x0  }
0x31: {  	s23 =	sadd.s32 s25, s31;
	[sflag:s14] =	ssyncadd.s32 $0xFFFF8000  }
0x32: {  	[tilespmem:s5], [sflag:$0x2] =	stream.linear.gather [hbm4b:s23+s2], $0x8000, $0x38;
	[tilespmem:$0x18000] =	vst v63  }
0x33: {  	_ =	swait.ge [sflag:s16], $0x8000  }
0x34: {  	[sflag:s16] =	ssyncset.done $0x0  }
0x35: {  	s24 =	sadd.s32 s29, s24;
	[sflag:s16] =	ssyncadd.s32 $0xFFFF8000  }
0x36: {  	[hbm4b:s24+s2] =	stream.linear.scatter [tilespmem:s7], [sflag:$0x6], $0x8000, $0x38;
	[tilespmem:$0x18000] =	vst v63  }
0x37: {  	_ =	swait.ge [sflag:s17], $0x8000  }
0x38: {  	s0 =	sor.u32 $0x7800, s26;
	[sflag:s17] =	ssyncset.done $0x0  }
0x39: {  	s25 =	sadd.s32 s25, s0;
	[sflag:s17] =	ssyncadd.s32 $0xFFFF8000  }
0x3a: {  	[tilespmem:s7], [sflag:$0x3] =	stream.linear.gather [hbm4b:s25+s2], $0x4000, $0x38;
	[tilespmem:$0x18000] =	vst v63  }
0x3b: {  	_ =	swait.ge [sflag:s8], $0x8000  }
0x3c: {  	[sflag:s8] =	ssyncset.done $0x0  }
0x3d: {  	s26 =	sadd.s32 s29, s28;
	[sflag:s8] =	ssyncadd.s32 $0xFFFF8000  }
0x3e: {  	[hbm4b:s26+s2] =	stream.linear.scatter [tilespmem:s2], [sflag:$0x4], $0x8000, $0x38;
	[tilespmem:$0x18000] =	vst v63  }
0x3f: {  	_ =	swait.ge [sflag:s12], $0x8000  }
0x40: {  	[sflag:s12] =	ssyncset.done $0x0  }
0x41: {  	s28 =	sadd.s32 s29, s31;
	[sflag:s12] =	ssyncadd.s32 $0xFFFF8000  }
0x42: {  	[hbm4b:s28+s2] =	stream.linear.scatter [tilespmem:s5], [sflag:$0x5], $0x8000, $0x38;
	[tilespmem:$0x18000] =	vst v63  }
0x43: {  	_ =	swait.ge [sflag:s16], $0x4000  }
0x44: {  	s31 =	ssub.s32 $0x2, s30;
	[sflag:s16] =	ssyncset.done $0x0  }
0x45: {  	s29 =	sadd.s32 s29, s0;
	s30 =	sshrl.u32 s31, $0x1;
	[sflag:s16] =	ssyncadd.s32 $0xFFFFC000  }
0x46: {  	[hbm4b:s29+s2] =	stream.linear.scatter [tilespmem:s7], [sflag:$0x6], $0x4000, $0x38;
	[tilespmem:$0x18000] =	vst v63  }
0x47: {  	s0 =	ssub.s32 s31, s30;
	_ =	swait.ge [sflag:s10], $0x8000  }
0x48: {  	s0 =	smax.u32 s0, $0x1;
	[sflag:s10] =	ssyncset.done $0x0  }
0x49: {  	p0 =	sne.s32 s0, $0x1;
	[sflag:s10] =	ssyncadd.s32 $0xFFFF8000  }
.Ltmp0:
0x4a: {  	_ =	swait.ge [sflag:s14], $0x8000;
	(pc) =	sbr.rel @!p0 .LBB2_2-.Ltmp0, $4  }
0x4b: {  	[sflag:s14] =	ssyncset.done $0x0  }
0x4c: {  	[sflag:s14] =	ssyncadd.s32 $0xFFFF8000  }
0x4d: {  	_ =	swait.ge [sflag:s17], $0x4000  }
0x4e: {  	s30 =	sadd.s32 $0xFFFFFFFF, s0;
	[sflag:s17] =	ssyncset.done $0x0  }
.LBB2_1:
0x4f: {  	p0 =	sne.s32 s30, $0x1;
	s30 =	sadd.s32 $0xFFFFFFFF, s30;
	[sflag:s17] =	ssyncadd.s32 $0xFFFFC000  }
0x50: {  	[tilespmem:s2], [sflag:$0x1] =	stream.linear.gather [hbm4b:s3+s2], $0x4000, $0x38;
	[tilespmem:$0x18000] =	vst v63  }
0x51: {  	_ = 	snop  }
0x52: {  	[tilespmem:s5], [sflag:$0x2] =	stream.linear.gather [hbm4b:s4+s2], $0x8000, $0x38;
	[tilespmem:$0x18000] =	vst v63  }
0x53: {  	_ = 	snop  }
0x54: {  	[tilespmem:s7], [sflag:$0x3] =	stream.linear.gather [hbm4b:s6+s2], $0x8000, $0x38;
	[tilespmem:$0x18000] =	vst v63  }
0x55: {  	_ =	swait.ge [sflag:s8], $0x4000  }
0x56: {  	[sflag:s8] =	ssyncset.done $0x0  }
0x57: {  	[sflag:s8] =	ssyncadd.s32 $0xFFFFC000  }
0x58: {  	[hbm4b:s9+s2] =	stream.linear.scatter [tilespmem:s2], [sflag:$0x4], $0x4000, $0x38;
	[tilespmem:$0x18000] =	vst v63  }
0x59: {  	_ =	swait.ge [sflag:s10], $0x4000  }
0x5a: {  	[sflag:s10] =	ssyncset.done $0x0  }
0x5b: {  	[sflag:s10] =	ssyncadd.s32 $0xFFFFC000  }
0x5c: {  	[tilespmem:s2], [sflag:$0x1] =	stream.linear.gather [hbm4b:s11+s2], $0x8000, $0x38;
	[tilespmem:$0x18000] =	vst v63  }
0x5d: {  	_ =	swait.ge [sflag:s12], $0x8000  }
0x5e: {  	[sflag:s12] =	ssyncset.done $0x0  }
0x5f: {  	[sflag:s12] =	ssyncadd.s32 $0xFFFF8000  }
0x60: {  	[hbm4b:s13+s2] =	stream.linear.scatter [tilespmem:s5], [sflag:$0x5], $0x8000, $0x38;
	[tilespmem:$0x18000] =	vst v63  }
0x61: {  	_ =	swait.ge [sflag:s14], $0x8000  }
0x62: {  	[sflag:s14] =	ssyncset.done $0x0  }
0x63: {  	[sflag:s14] =	ssyncadd.s32 $0xFFFF8000  }
0x64: {  	[tilespmem:s5], [sflag:$0x2] =	stream.linear.gather [hbm4b:s15+s2], $0x8000, $0x38;
	[tilespmem:$0x18000] =	vst v63  }
0x65: {  	_ =	swait.ge [sflag:s16], $0x8000  }
0x66: {  	[sflag:s16] =	ssyncset.done $0x0  }
0x67: {  	[sflag:s16] =	ssyncadd.s32 $0xFFFF8000  }
0x68: {  	[hbm4b:s18+s2] =	stream.linear.scatter [tilespmem:s7], [sflag:$0x6], $0x8000, $0x38;
	[tilespmem:$0x18000] =	vst v63  }
0x69: {  	_ =	swait.ge [sflag:s17], $0x8000  }
0x6a: {  	[sflag:s17] =	ssyncset.done $0x0  }
0x6b: {  	[sflag:s17] =	ssyncadd.s32 $0xFFFF8000  }
0x6c: {  	[tilespmem:s7], [sflag:$0x3] =	stream.linear.gather [hbm4b:s19+s2], $0x8000, $0x38;
	[tilespmem:$0x18000] =	vst v63  }
0x6d: {  	_ =	swait.ge [sflag:s8], $0x8000  }
0x6e: {  	[sflag:s8] =	ssyncset.done $0x0  }
0x6f: {  	[sflag:s8] =	ssyncadd.s32 $0xFFFF8000  }
0x70: {  	[hbm4b:s20+s2] =	stream.linear.scatter [tilespmem:s2], [sflag:$0x4], $0x8000, $0x38;
	[tilespmem:$0x18000] =	vst v63  }
0x71: {  	_ =	swait.ge [sflag:s10], $0x8000  }
0x72: {  	[sflag:s10] =	ssyncset.done $0x0  }
0x73: {  	[sflag:s10] =	ssyncadd.s32 $0xFFFF8000  }
0x74: {  	[tilespmem:s2], [sflag:$0x1] =	stream.linear.gather [hbm4b:s21+s2], $0x8000, $0x38;
	[tilespmem:$0x18000] =	vst v63  }
0x75: {  	_ =	swait.ge [sflag:s12], $0x8000  }
0x76: {  	[sflag:s12] =	ssyncset.done $0x0  }
0x77: {  	[sflag:s12] =	ssyncadd.s32 $0xFFFF8000  }
0x78: {  	[hbm4b:s22+s2] =	stream.linear.scatter [tilespmem:s5], [sflag:$0x5], $0x8000, $0x38;
	[tilespmem:$0x18000] =	vst v63  }
0x79: {  	_ =	swait.ge [sflag:s14], $0x8000  }
0x7a: {  	[sflag:s14] =	ssyncset.done $0x0  }
0x7b: {  	[sflag:s14] =	ssyncadd.s32 $0xFFFF8000  }
0x7c: {  	[tilespmem:s5], [sflag:$0x2] =	stream.linear.gather [hbm4b:s23+s2], $0x8000, $0x38;
	[tilespmem:$0x18000] =	vst v63  }
0x7d: {  	_ =	swait.ge [sflag:s16], $0x8000  }
0x7e: {  	[sflag:s16] =	ssyncset.done $0x0  }
0x7f: {  	[sflag:s16] =	ssyncadd.s32 $0xFFFF8000  }
0x80: {  	[hbm4b:s24+s2] =	stream.linear.scatter [tilespmem:s7], [sflag:$0x6], $0x8000, $0x38;
	[tilespmem:$0x18000] =	vst v63  }
0x81: {  	_ =	swait.ge [sflag:s17], $0x8000  }
0x82: {  	[sflag:s17] =	ssyncset.done $0x0  }
0x83: {  	[sflag:s17] =	ssyncadd.s32 $0xFFFF8000  }
0x84: {  	[tilespmem:s7], [sflag:$0x3] =	stream.linear.gather [hbm4b:s25+s2], $0x4000, $0x38;
	[tilespmem:$0x18000] =	vst v63  }
0x85: {  	_ =	swait.ge [sflag:s8], $0x8000  }
0x86: {  	[sflag:s8] =	ssyncset.done $0x0  }
0x87: {  	[sflag:s8] =	ssyncadd.s32 $0xFFFF8000  }
0x88: {  	[hbm4b:s26+s2] =	stream.linear.scatter [tilespmem:s2], [sflag:$0x4], $0x8000, $0x38;
	[tilespmem:$0x18000] =	vst v63  }
0x89: {  	_ =	swait.ge [sflag:s12], $0x8000  }
0x8a: {  	[sflag:s12] =	ssyncset.done $0x0  }
0x8b: {  	[sflag:s12] =	ssyncadd.s32 $0xFFFF8000  }
0x8c: {  	[hbm4b:s28+s2] =	stream.linear.scatter [tilespmem:s5], [sflag:$0x5], $0x8000, $0x38;
	[tilespmem:$0x18000] =	vst v63  }
0x8d: {  	_ =	swait.ge [sflag:s16], $0x4000  }
0x8e: {  	[sflag:s16] =	ssyncset.done $0x0  }
0x8f: {  	[sflag:s16] =	ssyncadd.s32 $0xFFFFC000  }
0x90: {  	[hbm4b:s29+s2] =	stream.linear.scatter [tilespmem:s7], [sflag:$0x6], $0x4000, $0x38;
	[tilespmem:$0x18000] =	vst v63  }
0x91: {  	_ =	swait.ge [sflag:s10], $0x8000  }
0x92: {  	[sflag:s10] =	ssyncset.done $0x0  }
0x93: {  	[sflag:s10] =	ssyncadd.s32 $0xFFFF8000  }
.Ltmp1:
0x94: {  	_ =	swait.ge [sflag:s14], $0x8000;
	(pc) =	sbr.rel @p0 .LBB2_1-.Ltmp1, $4  }
0x95: {  	[sflag:s14] =	ssyncset.done $0x0  }
0x96: {  	[sflag:s14] =	ssyncadd.s32 $0xFFFF8000  }
0x97: {  	_ =	swait.ge [sflag:s17], $0x4000  }
0x98: {  	[sflag:s17] =	ssyncset.done $0x0  }
.LBB2_2:
0x99: {  	[sflag:s17] =	ssyncadd.s32 $0xFFFFC000  }
0x9a: {  	_ =	sfence.sel $0x180000  }
0x9b: {  	[bflag:$0x0] =	sbarrier.arrive $0xFFFF  }
0x9c: {  	_ =	strace $0x90000047  }
0x9d: {  	[bflag:$0x2] =	sbarrier.arrive $0xFFFF  }
0x9e: {  	p0 =	sne.s32 s1, $0x0;
	s0 =	rddreg [dreg:$0x2]  }
0x9f: {  	s0 =	sadd.s32 @!p0 $0x100000, s0  }
0xa0: {  	[sflag:s0] =	ssyncadd.tile.s32 @!p0 $0x1;
	_ =	shalt  }
.Lfunc_end2:
_tile_overlayer_lowered:
.L_overlay_start_2:
0xa1: {  	(tag) =	ssettag $0x2  }
0xa2: {  	s0 =	rddreg [dreg:$0x0];
	s2 =	stileid.u32  }
0xa3: {  	s1 =	rddreg [dreg:$0x1];
	p0 =	sne.s32 s2, $0x0  }
0xa4: {  	s3 =	rddreg [dreg:$0x2];
	[bflag:$0x3] =	sbarrier.arrive $0xFFFF;
	s2 =	simm.s32 @!p0 $0x1C07  }
0xa5: {  	[timem:s3], [sflag:s2] =	dma.local @!p0 [hbm:s0], s1  }
0xa6: {  	s0 =	simm.s32 @!p0 $0x7  }
0xa7: {  	_ =	swait.ge @!p0 [sflag:s0], s1  }
0xa8: {  	s1 =	ssub.s32 @!p0 $0x0, s1;
	[sflag:s0] =	ssyncset.done @!p0 $0x0  }
0xa9: {  	[sflag:s0] =	ssyncadd.s32 @!p0 s1  }
0xaa: {  	[bflag:$0x3] =	sbarrier.arrive $0xFFFF  }
0xab: {  	_ =	shalt  }

</sc_bundles>
